<compile_context>
chip_gen: v7x
topology: tpu7x:2x2x1
jax: 0.10.2.dev20260603
libtpu: 0.0.44.dev20260713+nightly
codegen_flags: <defaults>
</compile_context>

<pallas_src>
import functools

import jax
import jax.numpy as jnp
from jax import lax
from jax.experimental import pallas as pl
from jax.experimental.pallas import tpu as pltpu
from jax.experimental.pallas import tpu_sc as plsc

N = 10000
NP = 10240
E = 160000
EP = 163840
F = 256
FH = 128
C = 40
CP = 128
BN = 1000
NBLK = N // BN

_mesh = plsc.VectorSubcoreMesh(core_axis_name="c", subcore_axis_name="s")


def _fill(ref, rows, cols, value):
    @pl.loop(0, rows)
    def _(i):
        @pl.loop(0, cols, step=16)
        def _(j):
            ref[i, pl.ds(j, 16)] = jnp.full((16,), value, jnp.float32)


def _fill1d(ref, n, value):
    @pl.loop(0, n, step=16)
    def _(j):
        ref[pl.ds(j, 16)] = jnp.full((16,), value, jnp.float32)


@functools.partial(
    pl.kernel, mesh=_mesh,
    out_type=jax.ShapeDtypeStruct((2, NP), jnp.float32),
    scratch_types=[
        pltpu.VMEM((EP // 128 // 32, 128), jnp.int32),
        pltpu.VMEM((128,), jnp.float32),
        pltpu.VMEM((640,), jnp.float32),
        pltpu.VMEM_SHARED((NP,), jnp.float32),
    ],
)
def _sc_degree(dst_hbm, out_hbm, idx_v, ones_v, zeros_v, deg_sh):
    c = lax.axis_index("c")
    s = lax.axis_index("s")
    w = c * 16 + s
    rw = EP // 128 // 32
    _fill1d(ones_v, 128, 1.0)
    _fill1d(zeros_v, 640, 0.0)
    pltpu.sync_copy(zeros_v, deg_sh.at[pl.ds(s * 640, 640)])
    pltpu.sync_copy(dst_hbm.at[pl.ds(w * rw, rw)], idx_v)
    plsc.subcore_barrier()

    @pl.loop(0, rw)
    def _(k):
        pltpu.sync_copy(ones_v, deg_sh.at[idx_v.at[k]], add=True)

    plsc.subcore_barrier()

    @pl.when(c == 0)
    def _():
        pltpu.sync_copy(deg_sh.at[pl.ds(s * 640, 640)],
                        out_hbm.at[0, pl.ds(s * 640, 640)])

    @pl.when(c == 1)
    def _():
        pltpu.sync_copy(deg_sh.at[pl.ds(s * 640, 640)],
                        out_hbm.at[1, pl.ds(s * 640, 640)])


@functools.partial(
    pl.kernel, mesh=_mesh,
    out_type=jax.ShapeDtypeStruct((2, NP, FH), jnp.float32),
    scratch_types=[
        pltpu.VMEM((EP // 128 // 16, 128), jnp.int32),
        pltpu.VMEM((EP // 128 // 16, 128), jnp.int32),
        pltpu.VMEM((128, FH), jnp.float32),
        pltpu.VMEM((16, FH), jnp.float32),
        pltpu.VMEM_SHARED((NP, FH), jnp.float32),
    ],
)
def _sc_edge256(sa_hbm, sb_hbm, src_hbm, dst_hbm, out_hbm,
                src_v, dst_v, rows_v, zero_v, acc_sh):
    c = lax.axis_index("c")
    s = lax.axis_index("s")
    rw = EP // 128 // 16
    _fill(zero_v, 16, FH, 0.0)

    @pl.loop(0, 40)
    def _(t):
        pltpu.sync_copy(zero_v, acc_sh.at[pl.ds(s * 640 + t * 16, 16)])

    pltpu.sync_copy(src_hbm.at[pl.ds(s * rw, rw)], src_v)
    pltpu.sync_copy(dst_hbm.at[pl.ds(s * rw, rw)], dst_v)
    plsc.subcore_barrier()

    def edge_pass(table_hbm):
        @pl.loop(0, rw)
        def _(k):
            pltpu.sync_copy(table_hbm.at[src_v.at[k]], rows_v)
            pltpu.sync_copy(rows_v, acc_sh.at[dst_v.at[k]], add=True)

    @pl.when(c == 0)
    def _():
        edge_pass(sa_hbm)

    @pl.when(c == 1)
    def _():
        edge_pass(sb_hbm)

    plsc.subcore_barrier()

    @pl.when(c == 0)
    def _():
        pltpu.sync_copy(acc_sh.at[pl.ds(s * 640, 640)],
                        out_hbm.at[0, pl.ds(s * 640, 640)])

    @pl.when(c == 1)
    def _():
        pltpu.sync_copy(acc_sh.at[pl.ds(s * 640, 640)],
                        out_hbm.at[1, pl.ds(s * 640, 640)])


@functools.partial(
    pl.kernel, mesh=_mesh,
    out_type=jax.ShapeDtypeStruct((2, NP, CP), jnp.float32),
    scratch_types=[
        pltpu.VMEM((EP // 128 // 32, 128), jnp.int32),
        pltpu.VMEM((EP // 128 // 32, 128), jnp.int32),
        pltpu.VMEM((128, CP), jnp.float32),
        pltpu.VMEM((16, CP), jnp.float32),
        pltpu.VMEM_SHARED((NP, CP), jnp.float32),
    ],
)
def _sc_edge64(s2_hbm, src_hbm, dst_hbm, out_hbm,
               src_v, dst_v, rows_v, zero_v, acc_sh):
    c = lax.axis_index("c")
    s = lax.axis_index("s")
    w = c * 16 + s
    rw = EP // 128 // 32
    _fill(zero_v, 16, CP, 0.0)

    @pl.loop(0, 40)
    def _(t):
        pltpu.sync_copy(zero_v, acc_sh.at[pl.ds(s * 640 + t * 16, 16)])

    pltpu.sync_copy(src_hbm.at[pl.ds(w * rw, rw)], src_v)
    pltpu.sync_copy(dst_hbm.at[pl.ds(w * rw, rw)], dst_v)
    plsc.subcore_barrier()

    @pl.loop(0, rw)
    def _(k):
        pltpu.sync_copy(s2_hbm.at[src_v.at[k]], rows_v)
        pltpu.sync_copy(rows_v, acc_sh.at[dst_v.at[k]], add=True)

    plsc.subcore_barrier()

    @pl.when(c == 0)
    def _():
        pltpu.sync_copy(acc_sh.at[pl.ds(s * 640, 640)],
                        out_hbm.at[0, pl.ds(s * 640, 640)])

    @pl.when(c == 1)
    def _():
        pltpu.sync_copy(acc_sh.at[pl.ds(s * 640, 640)],
                        out_hbm.at[1, pl.ds(s * 640, 640)])


def _tc_l1_body(x_ref, w_ref, da_ref, db_ref, sa_ref, sb_ref, dinv_ref):
    dinv = lax.rsqrt(jnp.maximum(da_ref[...] + db_ref[...] + 1.0, 1e-12))
    xw = jnp.dot(x_ref[...], w_ref[...], preferred_element_type=jnp.float32)
    scaled = xw * dinv
    sa_ref[...] = scaled[:, :FH]
    sb_ref[...] = scaled[:, FH:]
    dinv_ref[...] = dinv


def _tc_l1(x, w1, da, db):
    return pl.pallas_call(
        _tc_l1_body,
        grid=(NBLK,),
        in_specs=[
            pl.BlockSpec((BN, F), lambda i: (i, 0)),
            pl.BlockSpec((F, F), lambda i: (0, 0)),
            pl.BlockSpec((BN, 1), lambda i: (i, 0)),
            pl.BlockSpec((BN, 1), lambda i: (i, 0)),
        ],
        out_specs=[
            pl.BlockSpec((BN, FH), lambda i: (i, 0)),
            pl.BlockSpec((BN, FH), lambda i: (i, 0)),
            pl.BlockSpec((BN, 1), lambda i: (i, 0)),
        ],
        out_shape=[
            jax.ShapeDtypeStruct((N, FH), jnp.float32),
            jax.ShapeDtypeStruct((N, FH), jnp.float32),
            jax.ShapeDtypeStruct((N, 1), jnp.float32),
        ],
    )(x, w1, da, db)


def _tc_l2_body(aa_ref, ab_ref, sa_ref, sb_ref, dinv_ref, b1_ref, w2_ref,
                out_ref):
    dinv = dinv_ref[...]
    b1 = b1_ref[...]
    ha = jnp.maximum(dinv * (aa_ref[0] + sa_ref[...]) + b1[:, :FH], 0.0)
    hb = jnp.maximum(dinv * (ab_ref[0] + sb_ref[...]) + b1[:, FH:], 0.0)
    h = jnp.concatenate([ha, hb], axis=1)
    hw = jnp.dot(h, w2_ref[...], preferred_element_type=jnp.float32)
    out_ref[...] = hw * dinv


def _tc_l2(agg, sa, sb, dinv, b1, w2p):
    return pl.pallas_call(
        _tc_l2_body,
        grid=(NBLK,),
        in_specs=[
            pl.BlockSpec((1, BN, FH), lambda i: (0, i, 0)),
            pl.BlockSpec((1, BN, FH), lambda i: (1, i, 0)),
            pl.BlockSpec((BN, FH), lambda i: (i, 0)),
            pl.BlockSpec((BN, FH), lambda i: (i, 0)),
            pl.BlockSpec((BN, 1), lambda i: (i, 0)),
            pl.BlockSpec((1, F), lambda i: (0, 0)),
            pl.BlockSpec((F, CP), lambda i: (0, 0)),
        ],
        out_specs=pl.BlockSpec((BN, CP), lambda i: (i, 0)),
        out_shape=jax.ShapeDtypeStruct((N, CP), jnp.float32),
    )(agg, agg, sa, sb, dinv, b1, w2p)


def _tc_out_body(aa_ref, ab_ref, s2_ref, dinv_ref, b2_ref, out_ref):
    t = dinv_ref[...] * (aa_ref[0] + ab_ref[0] + s2_ref[...]) + b2_ref[...]
    t = t[:, :C]
    m = jnp.max(t, axis=1, keepdims=True)
    lse = jnp.log(jnp.sum(jnp.exp(t - m), axis=1, keepdims=True)) + m
    out_ref[...] = t - lse


def _tc_out(agg2, s2, dinv, b2p):
    return pl.pallas_call(
        _tc_out_body,
        grid=(NBLK,),
        in_specs=[
            pl.BlockSpec((1, BN, CP), lambda i: (0, i, 0)),
            pl.BlockSpec((1, BN, CP), lambda i: (1, i, 0)),
            pl.BlockSpec((BN, CP), lambda i: (i, 0)),
            pl.BlockSpec((BN, 1), lambda i: (i, 0)),
            pl.BlockSpec((1, CP), lambda i: (0, 0)),
        ],
        out_specs=pl.BlockSpec((BN, C), lambda i: (i, 0)),
        out_shape=jax.ShapeDtypeStruct((N, C), jnp.float32),
    )(agg2, agg2, s2, dinv, b2p)


def kernel(x, edge_index, W1, b1, W2, b2):
    pad = EP - E
    pad_src = jnp.arange(pad, dtype=jnp.int32) % N
    pad_dst = N + jnp.arange(pad, dtype=jnp.int32) % (NP - N)
    src2d = jnp.concatenate([edge_index[0], pad_src]).reshape(EP // 128, 128)
    dst2d = jnp.concatenate([edge_index[1], pad_dst]).reshape(EP // 128, 128)

    deg2 = _sc_degree(dst2d)
    da = deg2[0, :N, None]
    db = deg2[1, :N, None]
    sa, sb, dinv = _tc_l1(x, W1, da, db)
    agg = _sc_edge256(sa, sb, src2d, dst2d)
    w2p = jnp.pad(W2, ((0, 0), (0, CP - C)))
    s2 = _tc_l2(agg, sa, sb, dinv, b1[None, :], w2p)
    agg2 = _sc_edge64(s2, src2d, dst2d)
    b2p = jnp.pad(b2, (0, CP - C))[None, :]
    return _tc_out(agg2, s2, dinv, b2p)

# --- scband reference (transcript-rebuilt; emitter-appended) ---
"""Pipeline reference for scband-gcn-55284819034822 (READ-ONLY COPY).

The authoritative reference and input builder live on the scoring server;
editing this copy changes nothing except your own understanding.
"""

import jax, jax.numpy as jnp
import numpy as np

N = 10000
E = 160000
F_IN = 256
HID = 256
C = 40


def setup_inputs(seed: int = 0) -> dict:
    key = jax.random.key(seed)
    k1, k2, k3, k4 = jax.random.split(key, 4)
    x = jax.random.normal(k1, (N, F_IN), dtype=jnp.float32)
    edge_index = jax.random.randint(k2, (2, E), 0, N, dtype=jnp.int32)
    W1 = jax.random.normal(k3, (F_IN, HID), dtype=jnp.float32) * (1.0 / np.sqrt(F_IN))
    b1 = jnp.zeros((HID,), dtype=jnp.float32)
    W2 = jax.random.normal(k4, (HID, C), dtype=jnp.float32) * (1.0 / np.sqrt(HID))
    b2 = jnp.zeros((C,), dtype=jnp.float32)
    return {"x": x, "edge_index": edge_index, "W1": W1, "b1": b1, "W2": W2, "b2": b2}


def _gcn_conv(x, edge_index, W, b):
    # PyG GCNConv: add self-loops, symmetric normalization D^-1/2 (A+I) D^-1/2 X W + b
    num_nodes = x.shape[0]
    loop = jnp.arange(num_nodes, dtype=edge_index.dtype)
    src = jnp.concatenate([edge_index[0], loop])
    dst = jnp.concatenate([edge_index[1], loop])
    deg = jnp.zeros((num_nodes,), dtype=jnp.float32).at[dst].add(1.0)
    dinv = jax.lax.rsqrt(jnp.maximum(deg, 1e-12))
    norm = dinv[src] * dinv[dst]
    xw = x @ W
    msg = xw[src] * norm[:, None]
    out = jnp.zeros((num_nodes, W.shape[1]), dtype=jnp.float32).at[dst].add(msg)
    return out + b


def reference(x, edge_index, W1, b1, W2, b2):
    h = jax.nn.relu(_gcn_conv(x, edge_index, W1, b1))
    # dropout is identity in eval mode (training=False)
    out = _gcn_conv(h, edge_index, W2, b2)
    return jax.nn.log_softmax(out, axis=1)

if __name__ == "__main__":
    import jax
    _d = setup_inputs()
    print(jax.jit(kernel)(*tuple(_d.values())))

</pallas_src>

<mosaic_0001>
#map = affine_map<(d0, d1) -> (0, 0)>
#map1 = affine_map<(d0, d1) -> (0, 0, 0)>
module attributes {stable_mosaic.version = 14 : i64} {
  func.func @_sc_edge256(%arg0: i32, %arg1: i32, %arg2: memref<10000x128xf32, #tpu.memory_space<hbm>>, %arg3: memref<10000x128xf32, #tpu.memory_space<hbm>>, %arg4: memref<1280x128xi32, #tpu.memory_space<hbm>>, %arg5: memref<1280x128xi32, #tpu.memory_space<hbm>>, %arg6: memref<2x10240x128xf32, #tpu.memory_space<hbm>>, %arg7: memref<80x128xi32, #tpu.memory_space<vmem>>, %arg8: memref<80x128xi32, #tpu.memory_space<vmem>>, %arg9: memref<128x128xf32, #tpu.memory_space<vmem>>, %arg10: memref<16x128xf32, #tpu.memory_space<vmem>>, %arg11: memref<10240x128xf32, #tpu.memory_space<vmem_shared>>) attributes {dimension_semantics = [#tpu.dimension_semantics<core_parallel>, #tpu.dimension_semantics<subcore_parallel>], iteration_bounds = array<i64: 2, 16>, scalar_prefetch = 0 : i64, scratch_operands = 5 : i64, tpu.core_type = #tpu.core_type<sc_vector_subcore>, window_params = [{transform_indices = #map}, {transform_indices = #map}, {transform_indices = #map}, {transform_indices = #map}, {transform_indices = #map1}]} {
    %scan3A = arith.constant 0 : i32
    %scan3A_0 = arith.constant 16 : i32
    %scan3A_1 = arith.addi %scan3A, %scan3A_0 : i32
    %scan3A_2 = arith.constant 1 : i32
    scf.for %scan3A_30 = %scan3A to %scan3A_1 step %scan3A_2  : i32 {
      %mul3A_31 = arith.constant 1 : i32
      %mul3A_32 = arith.muli %scan3A_30, %mul3A_31 : i32
      %add3A = arith.constant 0 : i32
      %add3A_33 = arith.addi %add3A, %mul3A_32 : i32
      %scan3A_34 = arith.constant 0 : i32
      %scan3A_35 = arith.constant 8 : i32
      %scan3A_36 = arith.addi %scan3A_34, %scan3A_35 : i32
      %scan3A_37 = arith.constant 1 : i32
      scf.for %scan3A_39 = %scan3A_34 to %scan3A_36 step %scan3A_37  : i32 {
        %mul3A_40 = arith.constant 16 : i32
        %mul3A_41 = arith.muli %scan3A_39, %mul3A_40 : i32
        %add3A_42 = arith.constant 0 : i32
        %add3A_43 = arith.addi %add3A_42, %mul3A_41 : i32
        %broadcast_in_dim3A = arith.constant 0.000000e+00 : f32
        %broadcast_in_dim3A_44 = vector.broadcast %broadcast_in_dim3A : f32 to vector<16xf32>
        %swap3A = arith.index_cast %add3A_33 : i32 to index
        %swap3A_45 = arith.index_cast %add3A_43 : i32 to index
        %swap3A_46 = tpu.vector_load %arg10[%swap3A, %swap3A_45] {strides = array<i32>} : memref<16x128xf32, #tpu.memory_space<vmem>>, vector<1x16xf32>,
        %swap3A_47 = vector.shape_cast %swap3A_46 : vector<1x16xf32> to vector<16xf32>
        %swap3A_48 = vector.shape_cast %broadcast_in_dim3A_44 : vector<16xf32> to vector<1x16xf32>
        tpu.vector_store %arg10[%swap3A, %swap3A_45], %swap3A_48 {strides = array<i32>} : memref<16x128xf32, #tpu.memory_space<vmem>>, vector<1x16xf32>,
      }
      %scan3A_38 = arith.constant 8 : i32
    }
    %scan3A_3 = arith.constant 16 : i32
    %scan3A_4 = arith.constant 0 : i32
    %scan3A_5 = arith.constant 40 : i32
    %scan3A_6 = arith.addi %scan3A_4, %scan3A_5 : i32
    %scan3A_7 = arith.constant 1 : i32
    scf.for %scan3A_30 = %scan3A_4 to %scan3A_6 step %scan3A_7  : i32 {
      %mul3A_31 = arith.constant 1 : i32
      %mul3A_32 = arith.muli %scan3A_30, %mul3A_31 : i32
      %add3A = arith.constant 0 : i32
      %add3A_33 = arith.addi %add3A, %mul3A_32 : i32
      %mul3A_34 = arith.constant 640 : i32
      %mul3A_35 = arith.muli %arg1, %mul3A_34 : i32
      %mul3A_36 = arith.constant 16 : i32
      %mul3A_37 = arith.muli %add3A_33, %mul3A_36 : i32
      %add3A_38 = arith.addi %mul3A_35, %mul3A_37 : i32
      "tpu.region"() ({
        %run_scoped3A = tpu.sem_alloc : memref<!tpu.dma_semaphore, #tpu.memory_space<semaphore_mem>>
        %dma_start3A = arith.constant 0 : i32
        %dma_start3A_39 = tpu.memref_slice %arg11[%add3A_38, %dma_start3A] : memref<10240x128xf32, #tpu.memory_space<vmem_shared>> -> memref<16x128xf32, #tpu.memory_space<vmem_shared>>
        %dma_start3A_40 = arith.constant 0 : i32
        %dma_start3A_41 = tpu.memref_slice %arg11[%add3A_38, %dma_start3A_40] : memref<10240x128xf32, #tpu.memory_space<vmem_shared>> -> memref<16x128xf32, #tpu.memory_space<vmem_shared>>
        tpu.enqueue_dma source(%arg10 : memref<16x128xf32, #tpu.memory_space<vmem>>) target(%dma_start3A_41 : memref<16x128xf32, #tpu.memory_space<vmem_shared>>) target_semaphore(%run_scoped3A : memref<!tpu.dma_semaphore, #tpu.memory_space<semaphore_mem>>)
        %dma_wait3A = arith.constant 0 : i32
        %dma_wait3A_42 = tpu.memref_slice %arg11[%add3A_38, %dma_wait3A] : memref<10240x128xf32, #tpu.memory_space<vmem_shared>> -> memref<16x128xf32, #tpu.memory_space<vmem_shared>>
        %dma_wait3A_43 = arith.constant 0 : i32
        %dma_wait3A_44 = tpu.memref_slice %arg11[%add3A_38, %dma_wait3A_43] : memref<10240x128xf32, #tpu.memory_space<vmem_shared>> -> memref<16x128xf32, #tpu.memory_space<vmem_shared>>
        tpu.wait_dma2 semaphore(%run_scoped3A : memref<!tpu.dma_semaphore, #tpu.memory_space<semaphore_mem>>) src(%arg10 : memref<16x128xf32, #tpu.memory_space<vmem>>) dst(%dma_wait3A_44 : memref<16x128xf32, #tpu.memory_space<vmem_shared>>)
        tpu.yield
      }) : () -> ()
    }
    %scan3A_8 = arith.constant 40 : i32
    %mul3A = arith.constant 80 : i32
    %mul3A_9 = arith.muli %arg1, %mul3A : i32
    "tpu.region"() ({
      %run_scoped3A = tpu.sem_alloc : memref<!tpu.dma_semaphore, #tpu.memory_space<semaphore_mem>>
      %dma_start3A = arith.constant 0 : i32
      %dma_start3A_30 = tpu.memref_slice %arg4[%mul3A_9, %dma_start3A] : memref<1280x128xi32, #tpu.memory_space<hbm>> -> memref<80x128xi32, #tpu.memory_space<hbm>>
      %dma_start3A_31 = arith.constant 0 : i32
      %dma_start3A_32 = tpu.memref_slice %arg4[%mul3A_9, %dma_start3A_31] : memref<1280x128xi32, #tpu.memory_space<hbm>> -> memref<80x128xi32, #tpu.memory_space<hbm>>
      tpu.enqueue_dma source(%dma_start3A_32 : memref<80x128xi32, #tpu.memory_space<hbm>>) target(%arg7 : memref<80x128xi32, #tpu.memory_space<vmem>>) target_semaphore(%run_scoped3A : memref<!tpu.dma_semaphore, #tpu.memory_space<semaphore_mem>>)
      %dma_wait3A = arith.constant 0 : i32
      %dma_wait3A_33 = tpu.memref_slice %arg4[%mul3A_9, %dma_wait3A] : memref<1280x128xi32, #tpu.memory_space<hbm>> -> memref<80x128xi32, #tpu.memory_space<hbm>>
      %dma_wait3A_34 = arith.constant 0 : i32
      %dma_wait3A_35 = tpu.memref_slice %arg4[%mul3A_9, %dma_wait3A_34] : memref<1280x128xi32, #tpu.memory_space<hbm>> -> memref<80x128xi32, #tpu.memory_space<hbm>>
      tpu.wait_dma2 semaphore(%run_scoped3A : memref<!tpu.dma_semaphore, #tpu.memory_space<semaphore_mem>>) src(%dma_wait3A_35 : memref<80x128xi32, #tpu.memory_space<hbm>>) dst(%arg7 : memref<80x128xi32, #tpu.memory_space<vmem>>)
      tpu.yield
    }) : () -> ()
    %mul3A_10 = arith.constant 80 : i32
    %mul3A_11 = arith.muli %arg1, %mul3A_10 : i32
    "tpu.region"() ({
      %run_scoped3A = tpu.sem_alloc : memref<!tpu.dma_semaphore, #tpu.memory_space<semaphore_mem>>
      %dma_start3A = arith.constant 0 : i32
      %dma_start3A_30 = tpu.memref_slice %arg5[%mul3A_11, %dma_start3A] : memref<1280x128xi32, #tpu.memory_space<hbm>> -> memref<80x128xi32, #tpu.memory_space<hbm>>
      %dma_start3A_31 = arith.constant 0 : i32
      %dma_start3A_32 = tpu.memref_slice %arg5[%mul3A_11, %dma_start3A_31] : memref<1280x128xi32, #tpu.memory_space<hbm>> -> memref<80x128xi32, #tpu.memory_space<hbm>>
      tpu.enqueue_dma source(%dma_start3A_32 : memref<80x128xi32, #tpu.memory_space<hbm>>) target(%arg8 : memref<80x128xi32, #tpu.memory_space<vmem>>) target_semaphore(%run_scoped3A : memref<!tpu.dma_semaphore, #tpu.memory_space<semaphore_mem>>)
      %dma_wait3A = arith.constant 0 : i32
      %dma_wait3A_33 = tpu.memref_slice %arg5[%mul3A_11, %dma_wait3A] : memref<1280x128xi32, #tpu.memory_space<hbm>> -> memref<80x128xi32, #tpu.memory_space<hbm>>
      %dma_wait3A_34 = arith.constant 0 : i32
      %dma_wait3A_35 = tpu.memref_slice %arg5[%mul3A_11, %dma_wait3A_34] : memref<1280x128xi32, #tpu.memory_space<hbm>> -> memref<80x128xi32, #tpu.memory_space<hbm>>
      tpu.wait_dma2 semaphore(%run_scoped3A : memref<!tpu.dma_semaphore, #tpu.memory_space<semaphore_mem>>) src(%dma_wait3A_35 : memref<80x128xi32, #tpu.memory_space<hbm>>) dst(%arg8 : memref<80x128xi32, #tpu.memory_space<vmem>>)
      tpu.yield
    }) : () -> ()
    %barrier3A = arith.constant 0 : index
    tpu.barrier barrier_id(%barrier3A)
    %eq3A = arith.constant 0 : i32
    %eq3A_12 = arith.cmpi eq, %arg0, %eq3A : i32
    %convert_element_type3A = arith.extui %eq3A_12 : i1 to i32
    %cond3A = arith.constant 0 : i32
    %cond3A_13 = arith.cmpi ne, %convert_element_type3A, %cond3A : i32
    scf.if %cond3A_13 {
      %scan3A_30 = arith.constant 0 : i32
      %scan3A_31 = arith.constant 80 : i32
      %scan3A_32 = arith.addi %scan3A_30, %scan3A_31 : i32
      %scan3A_33 = arith.constant 1 : i32
      scf.for %scan3A_35 = %scan3A_30 to %scan3A_32 step %scan3A_33  : i32 {
        %mul3A_36 = arith.constant 1 : i32
        %mul3A_37 = arith.muli %scan3A_35, %mul3A_36 : i32
        %add3A = arith.constant 0 : i32
        %add3A_38 = arith.addi %add3A, %mul3A_37 : i32
        "tpu.region"() ({
          %run_scoped3A = tpu.sem_alloc : memref<!tpu.dma_semaphore, #tpu.memory_space<semaphore_mem>>
          %dma_start3A = arith.constant 0 : i32
          %dma_start3A_39 = tpu.memref_slice %arg7[%add3A_38, %dma_start3A] : memref<80x128xi32, #tpu.memory_space<vmem>> -> memref<1x128xi32, #tpu.memory_space<vmem>>
          %dma_start3A_40 = tpu.memref_squeeze %dma_start3A_39 : memref<1x128xi32, #tpu.memory_space<vmem>> -> memref<128xi32, #tpu.memory_space<vmem>>
          %dma_start3A_41 = arith.constant 0 : i32
          %dma_start3A_42 = arith.constant 0 : i32
          %dma_start3A_43 = tpu.memref_slice %arg2[%dma_start3A_41, %dma_start3A_42] : memref<10000x128xf32, #tpu.memory_space<hbm>> -> memref<10000x128xf32, #tpu.memory_space<hbm>>
          tpu.enqueue_indirect_dma source(%dma_start3A_43 : memref<10000x128xf32, #tpu.memory_space<hbm>>) target(%arg9 : memref<128x128xf32, #tpu.memory_space<vmem>>) offsets(%dma_start3A_40 : memref<128xi32, #tpu.memory_space<vmem>>) semaphore(%run_scoped3A : memref<!tpu.dma_semaphore, #tpu.memory_space<semaphore_mem>>)
          %dma_wait3A = arith.constant 0 : i32
          %dma_wait3A_44 = tpu.memref_slice %arg7[%add3A_38, %dma_wait3A] : memref<80x128xi32, #tpu.memory_space<vmem>> -> memref<1x128xi32, #tpu.memory_space<vmem>>
          %dma_wait3A_45 = tpu.memref_squeeze %dma_wait3A_44 : memref<1x128xi32, #tpu.memory_space<vmem>> -> memref<128xi32, #tpu.memory_space<vmem>>
          %dma_wait3A_46 = arith.constant 0 : i32
          %dma_wait3A_47 = arith.constant 0 : i32
          %dma_wait3A_48 = tpu.memref_slice %arg2[%dma_wait3A_46, %dma_wait3A_47] : memref<10000x128xf32, #tpu.memory_space<hbm>> -> memref<10000x128xf32, #tpu.memory_space<hbm>>
          tpu.wait_indirect_dma semaphore(%run_scoped3A : memref<!tpu.dma_semaphore, #tpu.memory_space<semaphore_mem>>) src(%dma_wait3A_48 : memref<10000x128xf32, #tpu.memory_space<hbm>>) dst(%arg9 : memref<128x128xf32, #tpu.memory_space<vmem>>)
          tpu.yield
        }) : () -> ()
        "tpu.region"() ({
          %run_scoped3A = tpu.sem_alloc : memref<!tpu.dma_semaphore, #tpu.memory_space<semaphore_mem>>
          %dma_start3A = arith.constant 0 : i32
          %dma_start3A_39 = tpu.memref_slice %arg8[%add3A_38, %dma_start3A] : memref<80x128xi32, #tpu.memory_space<vmem>> -> memref<1x128xi32, #tpu.memory_space<vmem>>
          %dma_start3A_40 = tpu.memref_squeeze %dma_start3A_39 : memref<1x128xi32, #tpu.memory_space<vmem>> -> memref<128xi32, #tpu.memory_space<vmem>>
          %dma_start3A_41 = arith.constant 0 : i32
          %dma_start3A_42 = arith.constant 0 : i32
          %dma_start3A_43 = tpu.memref_slice %arg11[%dma_start3A_41, %dma_start3A_42] : memref<10240x128xf32, #tpu.memory_space<vmem_shared>> -> memref<10240x128xf32, #tpu.memory_space<vmem_shared>>
          tpu.enqueue_indirect_dma source(%arg9 : memref<128x128xf32, #tpu.memory_space<vmem>>) target(%dma_start3A_43 : memref<10240x128xf32, #tpu.memory_space<vmem_shared>>) offsets(%dma_start3A_40 : memref<128xi32, #tpu.memory_space<vmem>>) semaphore(%run_scoped3A : memref<!tpu.dma_semaphore, #tpu.memory_space<semaphore_mem>>) {add = true}
          %dma_wait3A = arith.constant 0 : i32
          %dma_wait3A_44 = tpu.memref_slice %arg8[%add3A_38, %dma_wait3A] : memref<80x128xi32, #tpu.memory_space<vmem>> -> memref<1x128xi32, #tpu.memory_space<vmem>>
          %dma_wait3A_45 = tpu.memref_squeeze %dma_wait3A_44 : memref<1x128xi32, #tpu.memory_space<vmem>> -> memref<128xi32, #tpu.memory_space<vmem>>
          %dma_wait3A_46 = arith.constant 0 : i32
          %dma_wait3A_47 = arith.constant 0 : i32
          %dma_wait3A_48 = tpu.memref_slice %arg11[%dma_wait3A_46, %dma_wait3A_47] : memref<10240x128xf32, #tpu.memory_space<vmem_shared>> -> memref<10240x128xf32, #tpu.memory_space<vmem_shared>>
          tpu.wait_indirect_dma semaphore(%run_scoped3A : memref<!tpu.dma_semaphore, #tpu.memory_space<semaphore_mem>>) src(%arg9 : memref<128x128xf32, #tpu.memory_space<vmem>>) dst(%dma_wait3A_48 : memref<10240x128xf32, #tpu.memory_space<vmem_shared>>)
          tpu.yield
        }) : () -> ()
      }
      %scan3A_34 = arith.constant 80 : i32
    } else {
    }
    %eq3A_14 = arith.constant 1 : i32
    %eq3A_15 = arith.cmpi eq, %arg0, %eq3A_14 : i32
    %convert_element_type3A_16 = arith.extui %eq3A_15 : i1 to i32
    %cond3A_17 = arith.constant 0 : i32
    %cond3A_18 = arith.cmpi ne, %convert_element_type3A_16, %cond3A_17 : i32
    scf.if %cond3A_18 {
      %scan3A_30 = arith.constant 0 : i32
      %scan3A_31 = arith.constant 80 : i32
      %scan3A_32 = arith.addi %scan3A_30, %scan3A_31 : i32
      %scan3A_33 = arith.constant 1 : i32
      scf.for %scan3A_35 = %scan3A_30 to %scan3A_32 step %scan3A_33  : i32 {
        %mul3A_36 = arith.constant 1 : i32
        %mul3A_37 = arith.muli %scan3A_35, %mul3A_36 : i32
        %add3A = arith.constant 0 : i32
        %add3A_38 = arith.addi %add3A, %mul3A_37 : i32
        "tpu.region"() ({
          %run_scoped3A = tpu.sem_alloc : memref<!tpu.dma_semaphore, #tpu.memory_space<semaphore_mem>>
          %dma_start3A = arith.constant 0 : i32
          %dma_start3A_39 = tpu.memref_slice %arg7[%add3A_38, %dma_start3A] : memref<80x128xi32, #tpu.memory_space<vmem>> -> memref<1x128xi32, #tpu.memory_space<vmem>>
          %dma_start3A_40 = tpu.memref_squeeze %dma_start3A_39 : memref<1x128xi32, #tpu.memory_space<vmem>> -> memref<128xi32, #tpu.memory_space<vmem>>
          %dma_start3A_41 = arith.constant 0 : i32
          %dma_start3A_42 = arith.constant 0 : i32
          %dma_start3A_43 = tpu.memref_slice %arg3[%dma_start3A_41, %dma_start3A_42] : memref<10000x128xf32, #tpu.memory_space<hbm>> -> memref<10000x128xf32, #tpu.memory_space<hbm>>
          tpu.enqueue_indirect_dma source(%dma_start3A_43 : memref<10000x128xf32, #tpu.memory_space<hbm>>) target(%arg9 : memref<128x128xf32, #tpu.memory_space<vmem>>) offsets(%dma_start3A_40 : memref<128xi32, #tpu.memory_space<vmem>>) semaphore(%run_scoped3A : memref<!tpu.dma_semaphore, #tpu.memory_space<semaphore_mem>>)
          %dma_wait3A = arith.constant 0 : i32
          %dma_wait3A_44 = tpu.memref_slice %arg7[%add3A_38, %dma_wait3A] : memref<80x128xi32, #tpu.memory_space<vmem>> -> memref<1x128xi32, #tpu.memory_space<vmem>>
          %dma_wait3A_45 = tpu.memref_squeeze %dma_wait3A_44 : memref<1x128xi32, #tpu.memory_space<vmem>> -> memref<128xi32, #tpu.memory_space<vmem>>
          %dma_wait3A_46 = arith.constant 0 : i32
          %dma_wait3A_47 = arith.constant 0 : i32
          %dma_wait3A_48 = tpu.memref_slice %arg3[%dma_wait3A_46, %dma_wait3A_47] : memref<10000x128xf32, #tpu.memory_space<hbm>> -> memref<10000x128xf32, #tpu.memory_space<hbm>>
          tpu.wait_indirect_dma semaphore(%run_scoped3A : memref<!tpu.dma_semaphore, #tpu.memory_space<semaphore_mem>>) src(%dma_wait3A_48 : memref<10000x128xf32, #tpu.memory_space<hbm>>) dst(%arg9 : memref<128x128xf32, #tpu.memory_space<vmem>>)
          tpu.yield
        }) : () -> ()
        "tpu.region"() ({
          %run_scoped3A = tpu.sem_alloc : memref<!tpu.dma_semaphore, #tpu.memory_space<semaphore_mem>>
          %dma_start3A = arith.constant 0 : i32
          %dma_start3A_39 = tpu.memref_slice %arg8[%add3A_38, %dma_start3A] : memref<80x128xi32, #tpu.memory_space<vmem>> -> memref<1x128xi32, #tpu.memory_space<vmem>>
          %dma_start3A_40 = tpu.memref_squeeze %dma_start3A_39 : memref<1x128xi32, #tpu.memory_space<vmem>> -> memref<128xi32, #tpu.memory_space<vmem>>
          %dma_start3A_41 = arith.constant 0 : i32
          %dma_start3A_42 = arith.constant 0 : i32
          %dma_start3A_43 = tpu.memref_slice %arg11[%dma_start3A_41, %dma_start3A_42] : memref<10240x128xf32, #tpu.memory_space<vmem_shared>> -> memref<10240x128xf32, #tpu.memory_space<vmem_shared>>
          tpu.enqueue_indirect_dma source(%arg9 : memref<128x128xf32, #tpu.memory_space<vmem>>) target(%dma_start3A_43 : memref<10240x128xf32, #tpu.memory_space<vmem_shared>>) offsets(%dma_start3A_40 : memref<128xi32, #tpu.memory_space<vmem>>) semaphore(%run_scoped3A : memref<!tpu.dma_semaphore, #tpu.memory_space<semaphore_mem>>) {add = true}
          %dma_wait3A = arith.constant 0 : i32
          %dma_wait3A_44 = tpu.memref_slice %arg8[%add3A_38, %dma_wait3A] : memref<80x128xi32, #tpu.memory_space<vmem>> -> memref<1x128xi32, #tpu.memory_space<vmem>>
          %dma_wait3A_45 = tpu.memref_squeeze %dma_wait3A_44 : memref<1x128xi32, #tpu.memory_space<vmem>> -> memref<128xi32, #tpu.memory_space<vmem>>
          %dma_wait3A_46 = arith.constant 0 : i32
          %dma_wait3A_47 = arith.constant 0 : i32
          %dma_wait3A_48 = tpu.memref_slice %arg11[%dma_wait3A_46, %dma_wait3A_47] : memref<10240x128xf32, #tpu.memory_space<vmem_shared>> -> memref<10240x128xf32, #tpu.memory_space<vmem_shared>>
          tpu.wait_indirect_dma semaphore(%run_scoped3A : memref<!tpu.dma_semaphore, #tpu.memory_space<semaphore_mem>>) src(%arg9 : memref<128x128xf32, #tpu.memory_space<vmem>>) dst(%dma_wait3A_48 : memref<10240x128xf32, #tpu.memory_space<vmem_shared>>)
          tpu.yield
        }) : () -> ()
      }
      %scan3A_34 = arith.constant 80 : i32
    } else {
    }
    %barrier3A_19 = arith.constant 0 : index
    tpu.barrier barrier_id(%barrier3A_19)
    %eq3A_20 = arith.constant 0 : i32
    %eq3A_21 = arith.cmpi eq, %arg0, %eq3A_20 : i32
    %convert_element_type3A_22 = arith.extui %eq3A_21 : i1 to i32
    %cond3A_23 = arith.constant 0 : i32
    %cond3A_24 = arith.cmpi ne, %convert_element_type3A_22, %cond3A_23 : i32
    scf.if %cond3A_24 {
      %mul3A_30 = arith.constant 640 : i32
      %mul3A_31 = arith.muli %arg1, %mul3A_30 : i32
      %mul3A_32 = arith.constant 640 : i32
      %mul3A_33 = arith.muli %arg1, %mul3A_32 : i32
      %run_scoped3A = arith.constant 0 : i32
      "tpu.region"() ({
        %run_scoped3A_34 = tpu.sem_alloc : memref<!tpu.dma_semaphore, #tpu.memory_space<semaphore_mem>>
        %dma_start3A = arith.constant 0 : i32
        %dma_start3A_35 = tpu.memref_slice %arg6[%run_scoped3A, %mul3A_33, %dma_start3A] : memref<2x10240x128xf32, #tpu.memory_space<hbm>> -> memref<1x640x128xf32, #tpu.memory_space<hbm>>
        %dma_start3A_36 = tpu.memref_squeeze %dma_start3A_35 : memref<1x640x128xf32, #tpu.memory_space<hbm>> -> memref<640x128xf32, #tpu.memory_space<hbm>>
        %dma_start3A_37 = arith.constant 0 : i32
        %dma_start3A_38 = tpu.memref_slice %arg11[%mul3A_31, %dma_start3A_37] : memref<10240x128xf32, #tpu.memory_space<vmem_shared>> -> memref<640x128xf32, #tpu.memory_space<vmem_shared>>
        tpu.enqueue_dma source(%dma_start3A_38 : memref<640x128xf32, #tpu.memory_space<vmem_shared>>) target(%dma_start3A_36 : memref<640x128xf32, #tpu.memory_space<hbm>>) target_semaphore(%run_scoped3A_34 : memref<!tpu.dma_semaphore, #tpu.memory_space<semaphore_mem>>)
        %dma_wait3A = arith.constant 0 : i32
        %dma_wait3A_39 = tpu.memref_slice %arg6[%run_scoped3A, %mul3A_33, %dma_wait3A] : memref<2x10240x128xf32, #tpu.memory_space<hbm>> -> memref<1x640x128xf32, #tpu.memory_space<hbm>>
        %dma_wait3A_40 = tpu.memref_squeeze %dma_wait3A_39 : memref<1x640x128xf32, #tpu.memory_space<hbm>> -> memref<640x128xf32, #tpu.memory_space<hbm>>
        %dma_wait3A_41 = arith.constant 0 : i32
        %dma_wait3A_42 = tpu.memref_slice %arg11[%mul3A_31, %dma_wait3A_41] : memref<10240x128xf32, #tpu.memory_space<vmem_shared>> -> memref<640x128xf32, #tpu.memory_space<vmem_shared>>
        tpu.wait_dma2 semaphore(%run_scoped3A_34 : memref<!tpu.dma_semaphore, #tpu.memory_space<semaphore_mem>>) src(%dma_wait3A_42 : memref<640x128xf32, #tpu.memory_space<vmem_shared>>) dst(%dma_wait3A_40 : memref<640x128xf32, #tpu.memory_space<hbm>>)
        tpu.yield
      }) : () -> ()
    } else {
    }
    %eq3A_25 = arith.constant 1 : i32
    %eq3A_26 = arith.cmpi eq, %arg0, %eq3A_25 : i32
    %convert_element_type3A_27 = arith.extui %eq3A_26 : i1 to i32
    %cond3A_28 = arith.constant 0 : i32
    %cond3A_29 = arith.cmpi ne, %convert_element_type3A_27, %cond3A_28 : i32
    scf.if %cond3A_29 {
      %mul3A_30 = arith.constant 640 : i32
      %mul3A_31 = arith.muli %arg1, %mul3A_30 : i32
      %mul3A_32 = arith.constant 640 : i32
      %mul3A_33 = arith.muli %arg1, %mul3A_32 : i32
      %run_scoped3A = arith.constant 1 : i32
      "tpu.region"() ({
        %run_scoped3A_34 = tpu.sem_alloc : memref<!tpu.dma_semaphore, #tpu.memory_space<semaphore_mem>>
        %dma_start3A = arith.constant 0 : i32
        %dma_start3A_35 = tpu.memref_slice %arg6[%run_scoped3A, %mul3A_33, %dma_start3A] : memref<2x10240x128xf32, #tpu.memory_space<hbm>> -> memref<1x640x128xf32, #tpu.memory_space<hbm>>
        %dma_start3A_36 = tpu.memref_squeeze %dma_start3A_35 : memref<1x640x128xf32, #tpu.memory_space<hbm>> -> memref<640x128xf32, #tpu.memory_space<hbm>>
        %dma_start3A_37 = arith.constant 0 : i32
        %dma_start3A_38 = tpu.memref_slice %arg11[%mul3A_31, %dma_start3A_37] : memref<10240x128xf32, #tpu.memory_space<vmem_shared>> -> memref<640x128xf32, #tpu.memory_space<vmem_shared>>
        tpu.enqueue_dma source(%dma_start3A_38 : memref<640x128xf32, #tpu.memory_space<vmem_shared>>) target(%dma_start3A_36 : memref<640x128xf32, #tpu.memory_space<hbm>>) target_semaphore(%run_scoped3A_34 : memref<!tpu.dma_semaphore, #tpu.memory_space<semaphore_mem>>)
        %dma_wait3A = arith.constant 0 : i32
        %dma_wait3A_39 = tpu.memref_slice %arg6[%run_scoped3A, %mul3A_33, %dma_wait3A] : memref<2x10240x128xf32, #tpu.memory_space<hbm>> -> memref<1x640x128xf32, #tpu.memory_space<hbm>>
        %dma_wait3A_40 = tpu.memref_squeeze %dma_wait3A_39 : memref<1x640x128xf32, #tpu.memory_space<hbm>> -> memref<640x128xf32, #tpu.memory_space<hbm>>
        %dma_wait3A_41 = arith.constant 0 : i32
        %dma_wait3A_42 = tpu.memref_slice %arg11[%mul3A_31, %dma_wait3A_41] : memref<10240x128xf32, #tpu.memory_space<vmem_shared>> -> memref<640x128xf32, #tpu.memory_space<vmem_shared>>
        tpu.wait_dma2 semaphore(%run_scoped3A_34 : memref<!tpu.dma_semaphore, #tpu.memory_space<semaphore_mem>>) src(%dma_wait3A_42 : memref<640x128xf32, #tpu.memory_space<vmem_shared>>) dst(%dma_wait3A_40 : memref<640x128xf32, #tpu.memory_space<hbm>>)
        tpu.yield
      }) : () -> ()
    } else {
    }
    return
  }
}

#map = affine_map<(d0, d1) -> (0, 0)>
module attributes {stable_mosaic.version = 14 : i64} {
  func.func @_sc_degree(%arg0: i32, %arg1: i32, %arg2: memref<1280x128xi32, #tpu.memory_space<hbm>>, %arg3: memref<2x10240xf32, #tpu.memory_space<hbm>>, %arg4: memref<40x128xi32, #tpu.memory_space<vmem>>, %arg5: memref<128xf32, #tpu.memory_space<vmem>>, %arg6: memref<640xf32, #tpu.memory_space<vmem>>, %arg7: memref<10240xf32, #tpu.memory_space<vmem_shared>>) attributes {dimension_semantics = [#tpu.dimension_semantics<core_parallel>, #tpu.dimension_semantics<subcore_parallel>], iteration_bounds = array<i64: 2, 16>, scalar_prefetch = 0 : i64, scratch_operands = 4 : i64, tpu.core_type = #tpu.core_type<sc_vector_subcore>, window_params = [{transform_indices = #map}, {transform_indices = #map}]} {
    %mul3A = arith.constant 16 : i32
    %mul3A_0 = arith.muli %arg0, %mul3A : i32
    %add3A = arith.addi %mul3A_0, %arg1 : i32
    %scan3A = arith.constant 0 : i32
    %scan3A_1 = arith.constant 8 : i32
    %scan3A_2 = arith.addi %scan3A, %scan3A_1 : i32
    %scan3A_3 = arith.constant 1 : i32
    scf.for %scan3A_27 = %scan3A to %scan3A_2 step %scan3A_3  : i32 {
      %mul3A_28 = arith.constant 16 : i32
      %mul3A_29 = arith.muli %scan3A_27, %mul3A_28 : i32
      %add3A_30 = arith.constant 0 : i32
      %add3A_31 = arith.addi %add3A_30, %mul3A_29 : i32
      %broadcast_in_dim3A = arith.constant 1.000000e+00 : f32
      %broadcast_in_dim3A_32 = vector.broadcast %broadcast_in_dim3A : f32 to vector<16xf32>
      %swap3A = arith.index_cast %add3A_31 : i32 to index
      %swap3A_33 = tpu.vector_load %arg5[%swap3A] {strides = array<i32>} : memref<128xf32, #tpu.memory_space<vmem>>, vector<16xf32>,
      %swap3A_34 = vector.shape_cast %swap3A_33 : vector<16xf32> to vector<16xf32>
      %swap3A_35 = vector.shape_cast %broadcast_in_dim3A_32 : vector<16xf32> to vector<16xf32>
      tpu.vector_store %arg5[%swap3A], %swap3A_35 {strides = array<i32>} : memref<128xf32, #tpu.memory_space<vmem>>, vector<16xf32>,
    }
    %scan3A_4 = arith.constant 8 : i32
    %scan3A_5 = arith.constant 0 : i32
    %scan3A_6 = arith.constant 40 : i32
    %scan3A_7 = arith.addi %scan3A_5, %scan3A_6 : i32
    %scan3A_8 = arith.constant 1 : i32
    scf.for %scan3A_27 = %scan3A_5 to %scan3A_7 step %scan3A_8  : i32 {
      %mul3A_28 = arith.constant 16 : i32
      %mul3A_29 = arith.muli %scan3A_27, %mul3A_28 : i32
      %add3A_30 = arith.constant 0 : i32
      %add3A_31 = arith.addi %add3A_30, %mul3A_29 : i32
      %broadcast_in_dim3A = arith.constant 0.000000e+00 : f32
      %broadcast_in_dim3A_32 = vector.broadcast %broadcast_in_dim3A : f32 to vector<16xf32>
      %swap3A = arith.index_cast %add3A_31 : i32 to index
      %swap3A_33 = tpu.vector_load %arg6[%swap3A] {strides = array<i32>} : memref<640xf32, #tpu.memory_space<vmem>>, vector<16xf32>,
      %swap3A_34 = vector.shape_cast %swap3A_33 : vector<16xf32> to vector<16xf32>
      %swap3A_35 = vector.shape_cast %broadcast_in_dim3A_32 : vector<16xf32> to vector<16xf32>
      tpu.vector_store %arg6[%swap3A], %swap3A_35 {strides = array<i32>} : memref<640xf32, #tpu.memory_space<vmem>>, vector<16xf32>,
    }
    %scan3A_9 = arith.constant 40 : i32
    %mul3A_10 = arith.constant 640 : i32
    %mul3A_11 = arith.muli %arg1, %mul3A_10 : i32
    "tpu.region"() ({
      %run_scoped3A = tpu.sem_alloc : memref<!tpu.dma_semaphore, #tpu.memory_space<semaphore_mem>>
      %dma_start3A = tpu.memref_slice %arg7[%mul3A_11] : memref<10240xf32, #tpu.memory_space<vmem_shared>> -> memref<640xf32, #tpu.memory_space<vmem_shared>>
      %dma_start3A_27 = tpu.memref_slice %arg7[%mul3A_11] : memref<10240xf32, #tpu.memory_space<vmem_shared>> -> memref<640xf32, #tpu.memory_space<vmem_shared>>
      tpu.enqueue_dma source(%arg6 : memref<640xf32, #tpu.memory_space<vmem>>) target(%dma_start3A_27 : memref<640xf32, #tpu.memory_space<vmem_shared>>) target_semaphore(%run_scoped3A : memref<!tpu.dma_semaphore, #tpu.memory_space<semaphore_mem>>)
      %dma_wait3A = tpu.memref_slice %arg7[%mul3A_11] : memref<10240xf32, #tpu.memory_space<vmem_shared>> -> memref<640xf32, #tpu.memory_space<vmem_shared>>
      %dma_wait3A_28 = tpu.memref_slice %arg7[%mul3A_11] : memref<10240xf32, #tpu.memory_space<vmem_shared>> -> memref<640xf32, #tpu.memory_space<vmem_shared>>
      tpu.wait_dma2 semaphore(%run_scoped3A : memref<!tpu.dma_semaphore, #tpu.memory_space<semaphore_mem>>) src(%arg6 : memref<640xf32, #tpu.memory_space<vmem>>) dst(%dma_wait3A_28 : memref<640xf32, #tpu.memory_space<vmem_shared>>)
      tpu.yield
    }) : () -> ()
    %mul3A_12 = arith.constant 40 : i32
    %mul3A_13 = arith.muli %add3A, %mul3A_12 : i32
    "tpu.region"() ({
      %run_scoped3A = tpu.sem_alloc : memref<!tpu.dma_semaphore, #tpu.memory_space<semaphore_mem>>
      %dma_start3A = arith.constant 0 : i32
      %dma_start3A_27 = tpu.memref_slice %arg2[%mul3A_13, %dma_start3A] : memref<1280x128xi32, #tpu.memory_space<hbm>> -> memref<40x128xi32, #tpu.memory_space<hbm>>
      %dma_start3A_28 = arith.constant 0 : i32
      %dma_start3A_29 = tpu.memref_slice %arg2[%mul3A_13, %dma_start3A_28] : memref<1280x128xi32, #tpu.memory_space<hbm>> -> memref<40x128xi32, #tpu.memory_space<hbm>>
      tpu.enqueue_dma source(%dma_start3A_29 : memref<40x128xi32, #tpu.memory_space<hbm>>) target(%arg4 : memref<40x128xi32, #tpu.memory_space<vmem>>) target_semaphore(%run_scoped3A : memref<!tpu.dma_semaphore, #tpu.memory_space<semaphore_mem>>)
      %dma_wait3A = arith.constant 0 : i32
      %dma_wait3A_30 = tpu.memref_slice %arg2[%mul3A_13, %dma_wait3A] : memref<1280x128xi32, #tpu.memory_space<hbm>> -> memref<40x128xi32, #tpu.memory_space<hbm>>
      %dma_wait3A_31 = arith.constant 0 : i32
      %dma_wait3A_32 = tpu.memref_slice %arg2[%mul3A_13, %dma_wait3A_31] : memref<1280x128xi32, #tpu.memory_space<hbm>> -> memref<40x128xi32, #tpu.memory_space<hbm>>
      tpu.wait_dma2 semaphore(%run_scoped3A : memref<!tpu.dma_semaphore, #tpu.memory_space<semaphore_mem>>) src(%dma_wait3A_32 : memref<40x128xi32, #tpu.memory_space<hbm>>) dst(%arg4 : memref<40x128xi32, #tpu.memory_space<vmem>>)
      tpu.yield
    }) : () -> ()
    %barrier3A = arith.constant 0 : index
    tpu.barrier barrier_id(%barrier3A)
    %scan3A_14 = arith.constant 0 : i32
    %scan3A_15 = arith.constant 40 : i32
    %scan3A_16 = arith.addi %scan3A_14, %scan3A_15 : i32
    %scan3A_17 = arith.constant 1 : i32
    scf.for %scan3A_27 = %scan3A_14 to %scan3A_16 step %scan3A_17  : i32 {
      %mul3A_28 = arith.constant 1 : i32
      %mul3A_29 = arith.muli %scan3A_27, %mul3A_28 : i32
      %add3A_30 = arith.constant 0 : i32
      %add3A_31 = arith.addi %add3A_30, %mul3A_29 : i32
      "tpu.region"() ({
        %run_scoped3A = tpu.sem_alloc : memref<!tpu.dma_semaphore, #tpu.memory_space<semaphore_mem>>
        %dma_start3A = arith.constant 0 : i32
        %dma_start3A_32 = tpu.memref_slice %arg4[%add3A_31, %dma_start3A] : memref<40x128xi32, #tpu.memory_space<vmem>> -> memref<1x128xi32, #tpu.memory_space<vmem>>
        %dma_start3A_33 = tpu.memref_squeeze %dma_start3A_32 : memref<1x128xi32, #tpu.memory_space<vmem>> -> memref<128xi32, #tpu.memory_space<vmem>>
        %dma_start3A_34 = arith.constant 0 : i32
        %dma_start3A_35 = tpu.memref_slice %arg7[%dma_start3A_34] : memref<10240xf32, #tpu.memory_space<vmem_shared>> -> memref<10240xf32, #tpu.memory_space<vmem_shared>>
        tpu.enqueue_indirect_dma source(%arg5 : memref<128xf32, #tpu.memory_space<vmem>>) target(%dma_start3A_35 : memref<10240xf32, #tpu.memory_space<vmem_shared>>) offsets(%dma_start3A_33 : memref<128xi32, #tpu.memory_space<vmem>>) semaphore(%run_scoped3A : memref<!tpu.dma_semaphore, #tpu.memory_space<semaphore_mem>>) {add = true}
        %dma_wait3A = arith.constant 0 : i32
        %dma_wait3A_36 = tpu.memref_slice %arg4[%add3A_31, %dma_wait3A] : memref<40x128xi32, #tpu.memory_space<vmem>> -> memref<1x128xi32, #tpu.memory_space<vmem>>
        %dma_wait3A_37 = tpu.memref_squeeze %dma_wait3A_36 : memref<1x128xi32, #tpu.memory_space<vmem>> -> memref<128xi32, #tpu.memory_space<vmem>>
        %dma_wait3A_38 = arith.constant 0 : i32
        %dma_wait3A_39 = tpu.memref_slice %arg7[%dma_wait3A_38] : memref<10240xf32, #tpu.memory_space<vmem_shared>> -> memref<10240xf32, #tpu.memory_space<vmem_shared>>
        tpu.wait_indirect_dma semaphore(%run_scoped3A : memref<!tpu.dma_semaphore, #tpu.memory_space<semaphore_mem>>) src(%arg5 : memref<128xf32, #tpu.memory_space<vmem>>) dst(%dma_wait3A_39 : memref<10240xf32, #tpu.memory_space<vmem_shared>>)
        tpu.yield
      }) : () -> ()
    }
    %scan3A_18 = arith.constant 40 : i32
    %barrier3A_19 = arith.constant 0 : index
    tpu.barrier barrier_id(%barrier3A_19)
    %eq3A = arith.constant 0 : i32
    %eq3A_20 = arith.cmpi eq, %arg0, %eq3A : i32
    %convert_element_type3A = arith.extui %eq3A_20 : i1 to i32
    %cond3A = arith.constant 0 : i32
    %cond3A_21 = arith.cmpi ne, %convert_element_type3A, %cond3A : i32
    scf.if %cond3A_21 {
      %mul3A_27 = arith.constant 640 : i32
      %mul3A_28 = arith.muli %arg1, %mul3A_27 : i32
      %mul3A_29 = arith.constant 640 : i32
      %mul3A_30 = arith.muli %arg1, %mul3A_29 : i32
      %run_scoped3A = arith.constant 0 : i32
      "tpu.region"() ({
        %run_scoped3A_31 = tpu.sem_alloc : memref<!tpu.dma_semaphore, #tpu.memory_space<semaphore_mem>>
        %dma_start3A = tpu.memref_slice %arg3[%run_scoped3A, %mul3A_30] : memref<2x10240xf32, #tpu.memory_space<hbm>> -> memref<1x640xf32, #tpu.memory_space<hbm>>
        %dma_start3A_32 = tpu.memref_squeeze %dma_start3A : memref<1x640xf32, #tpu.memory_space<hbm>> -> memref<640xf32, #tpu.memory_space<hbm>>
        %dma_start3A_33 = tpu.memref_slice %arg7[%mul3A_28] : memref<10240xf32, #tpu.memory_space<vmem_shared>> -> memref<640xf32, #tpu.memory_space<vmem_shared>>
        tpu.enqueue_dma source(%dma_start3A_33 : memref<640xf32, #tpu.memory_space<vmem_shared>>) target(%dma_start3A_32 : memref<640xf32, #tpu.memory_space<hbm>>) target_semaphore(%run_scoped3A_31 : memref<!tpu.dma_semaphore, #tpu.memory_space<semaphore_mem>>)
        %dma_wait3A = tpu.memref_slice %arg3[%run_scoped3A, %mul3A_30] : memref<2x10240xf32, #tpu.memory_space<hbm>> -> memref<1x640xf32, #tpu.memory_space<hbm>>
        %dma_wait3A_34 = tpu.memref_squeeze %dma_wait3A : memref<1x640xf32, #tpu.memory_space<hbm>> -> memref<640xf32, #tpu.memory_space<hbm>>
        %dma_wait3A_35 = tpu.memref_slice %arg7[%mul3A_28] : memref<10240xf32, #tpu.memory_space<vmem_shared>> -> memref<640xf32, #tpu.memory_space<vmem_shared>>
        tpu.wait_dma2 semaphore(%run_scoped3A_31 : memref<!tpu.dma_semaphore, #tpu.memory_space<semaphore_mem>>) src(%dma_wait3A_35 : memref<640xf32, #tpu.memory_space<vmem_shared>>) dst(%dma_wait3A_34 : memref<640xf32, #tpu.memory_space<hbm>>)
        tpu.yield
      }) : () -> ()
    } else {
    }
    %eq3A_22 = arith.constant 1 : i32
    %eq3A_23 = arith.cmpi eq, %arg0, %eq3A_22 : i32
    %convert_element_type3A_24 = arith.extui %eq3A_23 : i1 to i32
    %cond3A_25 = arith.constant 0 : i32
    %cond3A_26 = arith.cmpi ne, %convert_element_type3A_24, %cond3A_25 : i32
    scf.if %cond3A_26 {
      %mul3A_27 = arith.constant 640 : i32
      %mul3A_28 = arith.muli %arg1, %mul3A_27 : i32
      %mul3A_29 = arith.constant 640 : i32
      %mul3A_30 = arith.muli %arg1, %mul3A_29 : i32
      %run_scoped3A = arith.constant 1 : i32
      "tpu.region"() ({
        %run_scoped3A_31 = tpu.sem_alloc : memref<!tpu.dma_semaphore, #tpu.memory_space<semaphore_mem>>
        %dma_start3A = tpu.memref_slice %arg3[%run_scoped3A, %mul3A_30] : memref<2x10240xf32, #tpu.memory_space<hbm>> -> memref<1x640xf32, #tpu.memory_space<hbm>>
        %dma_start3A_32 = tpu.memref_squeeze %dma_start3A : memref<1x640xf32, #tpu.memory_space<hbm>> -> memref<640xf32, #tpu.memory_space<hbm>>
        %dma_start3A_33 = tpu.memref_slice %arg7[%mul3A_28] : memref<10240xf32, #tpu.memory_space<vmem_shared>> -> memref<640xf32, #tpu.memory_space<vmem_shared>>
        tpu.enqueue_dma source(%dma_start3A_33 : memref<640xf32, #tpu.memory_space<vmem_shared>>) target(%dma_start3A_32 : memref<640xf32, #tpu.memory_space<hbm>>) target_semaphore(%run_scoped3A_31 : memref<!tpu.dma_semaphore, #tpu.memory_space<semaphore_mem>>)
        %dma_wait3A = tpu.memref_slice %arg3[%run_scoped3A, %mul3A_30] : memref<2x10240xf32, #tpu.memory_space<hbm>> -> memref<1x640xf32, #tpu.memory_space<hbm>>
        %dma_wait3A_34 = tpu.memref_squeeze %dma_wait3A : memref<1x640xf32, #tpu.memory_space<hbm>> -> memref<640xf32, #tpu.memory_space<hbm>>
        %dma_wait3A_35 = tpu.memref_slice %arg7[%mul3A_28] : memref<10240xf32, #tpu.memory_space<vmem_shared>> -> memref<640xf32, #tpu.memory_space<vmem_shared>>
        tpu.wait_dma2 semaphore(%run_scoped3A_31 : memref<!tpu.dma_semaphore, #tpu.memory_space<semaphore_mem>>) src(%dma_wait3A_35 : memref<640xf32, #tpu.memory_space<vmem_shared>>) dst(%dma_wait3A_34 : memref<640xf32, #tpu.memory_space<hbm>>)
        tpu.yield
      }) : () -> ()
    } else {
    }
    return
  }
}

#map = affine_map<(d0, d1) -> (0, 0)>
#map1 = affine_map<(d0, d1) -> (0, 0, 0)>
module attributes {stable_mosaic.version = 14 : i64} {
  func.func @_sc_edge64(%arg0: i32, %arg1: i32, %arg2: memref<10000x128xf32, #tpu.memory_space<hbm>>, %arg3: memref<1280x128xi32, #tpu.memory_space<hbm>>, %arg4: memref<1280x128xi32, #tpu.memory_space<hbm>>, %arg5: memref<2x10240x128xf32, #tpu.memory_space<hbm>>, %arg6: memref<40x128xi32, #tpu.memory_space<vmem>>, %arg7: memref<40x128xi32, #tpu.memory_space<vmem>>, %arg8: memref<128x128xf32, #tpu.memory_space<vmem>>, %arg9: memref<16x128xf32, #tpu.memory_space<vmem>>, %arg10: memref<10240x128xf32, #tpu.memory_space<vmem_shared>>) attributes {dimension_semantics = [#tpu.dimension_semantics<core_parallel>, #tpu.dimension_semantics<subcore_parallel>], iteration_bounds = array<i64: 2, 16>, scalar_prefetch = 0 : i64, scratch_operands = 5 : i64, tpu.core_type = #tpu.core_type<sc_vector_subcore>, window_params = [{transform_indices = #map}, {transform_indices = #map}, {transform_indices = #map}, {transform_indices = #map1}]} {
    %mul3A = arith.constant 16 : i32
    %mul3A_0 = arith.muli %arg0, %mul3A : i32
    %add3A = arith.addi %mul3A_0, %arg1 : i32
    %scan3A = arith.constant 0 : i32
    %scan3A_1 = arith.constant 16 : i32
    %scan3A_2 = arith.addi %scan3A, %scan3A_1 : i32
    %scan3A_3 = arith.constant 1 : i32
    scf.for %scan3A_27 = %scan3A to %scan3A_2 step %scan3A_3  : i32 {
      %mul3A_28 = arith.constant 1 : i32
      %mul3A_29 = arith.muli %scan3A_27, %mul3A_28 : i32
      %add3A_30 = arith.constant 0 : i32
      %add3A_31 = arith.addi %add3A_30, %mul3A_29 : i32
      %scan3A_32 = arith.constant 0 : i32
      %scan3A_33 = arith.constant 8 : i32
      %scan3A_34 = arith.addi %scan3A_32, %scan3A_33 : i32
      %scan3A_35 = arith.constant 1 : i32
      scf.for %scan3A_37 = %scan3A_32 to %scan3A_34 step %scan3A_35  : i32 {
        %mul3A_38 = arith.constant 16 : i32
        %mul3A_39 = arith.muli %scan3A_37, %mul3A_38 : i32
        %add3A_40 = arith.constant 0 : i32
        %add3A_41 = arith.addi %add3A_40, %mul3A_39 : i32
        %broadcast_in_dim3A = arith.constant 0.000000e+00 : f32
        %broadcast_in_dim3A_42 = vector.broadcast %broadcast_in_dim3A : f32 to vector<16xf32>
        %swap3A = arith.index_cast %add3A_31 : i32 to index
        %swap3A_43 = arith.index_cast %add3A_41 : i32 to index
        %swap3A_44 = tpu.vector_load %arg9[%swap3A, %swap3A_43] {strides = array<i32>} : memref<16x128xf32, #tpu.memory_space<vmem>>, vector<1x16xf32>,
        %swap3A_45 = vector.shape_cast %swap3A_44 : vector<1x16xf32> to vector<16xf32>
        %swap3A_46 = vector.shape_cast %broadcast_in_dim3A_42 : vector<16xf32> to vector<1x16xf32>
        tpu.vector_store %arg9[%swap3A, %swap3A_43], %swap3A_46 {strides = array<i32>} : memref<16x128xf32, #tpu.memory_space<vmem>>, vector<1x16xf32>,
      }
      %scan3A_36 = arith.constant 8 : i32
    }
    %scan3A_4 = arith.constant 16 : i32
    %scan3A_5 = arith.constant 0 : i32
    %scan3A_6 = arith.constant 40 : i32
    %scan3A_7 = arith.addi %scan3A_5, %scan3A_6 : i32
    %scan3A_8 = arith.constant 1 : i32
    scf.for %scan3A_27 = %scan3A_5 to %scan3A_7 step %scan3A_8  : i32 {
      %mul3A_28 = arith.constant 1 : i32
      %mul3A_29 = arith.muli %scan3A_27, %mul3A_28 : i32
      %add3A_30 = arith.constant 0 : i32
      %add3A_31 = arith.addi %add3A_30, %mul3A_29 : i32
      %mul3A_32 = arith.constant 640 : i32
      %mul3A_33 = arith.muli %arg1, %mul3A_32 : i32
      %mul3A_34 = arith.constant 16 : i32
      %mul3A_35 = arith.muli %add3A_31, %mul3A_34 : i32
      %add3A_36 = arith.addi %mul3A_33, %mul3A_35 : i32
      "tpu.region"() ({
        %run_scoped3A = tpu.sem_alloc : memref<!tpu.dma_semaphore, #tpu.memory_space<semaphore_mem>>
        %dma_start3A = arith.constant 0 : i32
        %dma_start3A_37 = tpu.memref_slice %arg10[%add3A_36, %dma_start3A] : memref<10240x128xf32, #tpu.memory_space<vmem_shared>> -> memref<16x128xf32, #tpu.memory_space<vmem_shared>>
        %dma_start3A_38 = arith.constant 0 : i32
        %dma_start3A_39 = tpu.memref_slice %arg10[%add3A_36, %dma_start3A_38] : memref<10240x128xf32, #tpu.memory_space<vmem_shared>> -> memref<16x128xf32, #tpu.memory_space<vmem_shared>>
        tpu.enqueue_dma source(%arg9 : memref<16x128xf32, #tpu.memory_space<vmem>>) target(%dma_start3A_39 : memref<16x128xf32, #tpu.memory_space<vmem_shared>>) target_semaphore(%run_scoped3A : memref<!tpu.dma_semaphore, #tpu.memory_space<semaphore_mem>>)
        %dma_wait3A = arith.constant 0 : i32
        %dma_wait3A_40 = tpu.memref_slice %arg10[%add3A_36, %dma_wait3A] : memref<10240x128xf32, #tpu.memory_space<vmem_shared>> -> memref<16x128xf32, #tpu.memory_space<vmem_shared>>
        %dma_wait3A_41 = arith.constant 0 : i32
        %dma_wait3A_42 = tpu.memref_slice %arg10[%add3A_36, %dma_wait3A_41] : memref<10240x128xf32, #tpu.memory_space<vmem_shared>> -> memref<16x128xf32, #tpu.memory_space<vmem_shared>>
        tpu.wait_dma2 semaphore(%run_scoped3A : memref<!tpu.dma_semaphore, #tpu.memory_space<semaphore_mem>>) src(%arg9 : memref<16x128xf32, #tpu.memory_space<vmem>>) dst(%dma_wait3A_42 : memref<16x128xf32, #tpu.memory_space<vmem_shared>>)
        tpu.yield
      }) : () -> ()
    }
    %scan3A_9 = arith.constant 40 : i32
    %mul3A_10 = arith.constant 40 : i32
    %mul3A_11 = arith.muli %add3A, %mul3A_10 : i32
    "tpu.region"() ({
      %run_scoped3A = tpu.sem_alloc : memref<!tpu.dma_semaphore, #tpu.memory_space<semaphore_mem>>
      %dma_start3A = arith.constant 0 : i32
      %dma_start3A_27 = tpu.memref_slice %arg3[%mul3A_11, %dma_start3A] : memref<1280x128xi32, #tpu.memory_space<hbm>> -> memref<40x128xi32, #tpu.memory_space<hbm>>
      %dma_start3A_28 = arith.constant 0 : i32
      %dma_start3A_29 = tpu.memref_slice %arg3[%mul3A_11, %dma_start3A_28] : memref<1280x128xi32, #tpu.memory_space<hbm>> -> memref<40x128xi32, #tpu.memory_space<hbm>>
      tpu.enqueue_dma source(%dma_start3A_29 : memref<40x128xi32, #tpu.memory_space<hbm>>) target(%arg6 : memref<40x128xi32, #tpu.memory_space<vmem>>) target_semaphore(%run_scoped3A : memref<!tpu.dma_semaphore, #tpu.memory_space<semaphore_mem>>)
      %dma_wait3A = arith.constant 0 : i32
      %dma_wait3A_30 = tpu.memref_slice %arg3[%mul3A_11, %dma_wait3A] : memref<1280x128xi32, #tpu.memory_space<hbm>> -> memref<40x128xi32, #tpu.memory_space<hbm>>
      %dma_wait3A_31 = arith.constant 0 : i32
      %dma_wait3A_32 = tpu.memref_slice %arg3[%mul3A_11, %dma_wait3A_31] : memref<1280x128xi32, #tpu.memory_space<hbm>> -> memref<40x128xi32, #tpu.memory_space<hbm>>
      tpu.wait_dma2 semaphore(%run_scoped3A : memref<!tpu.dma_semaphore, #tpu.memory_space<semaphore_mem>>) src(%dma_wait3A_32 : memref<40x128xi32, #tpu.memory_space<hbm>>) dst(%arg6 : memref<40x128xi32, #tpu.memory_space<vmem>>)
      tpu.yield
    }) : () -> ()
    %mul3A_12 = arith.constant 40 : i32
    %mul3A_13 = arith.muli %add3A, %mul3A_12 : i32
    "tpu.region"() ({
      %run_scoped3A = tpu.sem_alloc : memref<!tpu.dma_semaphore, #tpu.memory_space<semaphore_mem>>
      %dma_start3A = arith.constant 0 : i32
      %dma_start3A_27 = tpu.memref_slice %arg4[%mul3A_13, %dma_start3A] : memref<1280x128xi32, #tpu.memory_space<hbm>> -> memref<40x128xi32, #tpu.memory_space<hbm>>
      %dma_start3A_28 = arith.constant 0 : i32
      %dma_start3A_29 = tpu.memref_slice %arg4[%mul3A_13, %dma_start3A_28] : memref<1280x128xi32, #tpu.memory_space<hbm>> -> memref<40x128xi32, #tpu.memory_space<hbm>>
      tpu.enqueue_dma source(%dma_start3A_29 : memref<40x128xi32, #tpu.memory_space<hbm>>) target(%arg7 : memref<40x128xi32, #tpu.memory_space<vmem>>) target_semaphore(%run_scoped3A : memref<!tpu.dma_semaphore, #tpu.memory_space<semaphore_mem>>)
      %dma_wait3A = arith.constant 0 : i32
      %dma_wait3A_30 = tpu.memref_slice %arg4[%mul3A_13, %dma_wait3A] : memref<1280x128xi32, #tpu.memory_space<hbm>> -> memref<40x128xi32, #tpu.memory_space<hbm>>
      %dma_wait3A_31 = arith.constant 0 : i32
      %dma_wait3A_32 = tpu.memref_slice %arg4[%mul3A_13, %dma_wait3A_31] : memref<1280x128xi32, #tpu.memory_space<hbm>> -> memref<40x128xi32, #tpu.memory_space<hbm>>
      tpu.wait_dma2 semaphore(%run_scoped3A : memref<!tpu.dma_semaphore, #tpu.memory_space<semaphore_mem>>) src(%dma_wait3A_32 : memref<40x128xi32, #tpu.memory_space<hbm>>) dst(%arg7 : memref<40x128xi32, #tpu.memory_space<vmem>>)
      tpu.yield
    }) : () -> ()
    %barrier3A = arith.constant 0 : index
    tpu.barrier barrier_id(%barrier3A)
    %scan3A_14 = arith.constant 0 : i32
    %scan3A_15 = arith.constant 40 : i32
    %scan3A_16 = arith.addi %scan3A_14, %scan3A_15 : i32
    %scan3A_17 = arith.constant 1 : i32
    scf.for %scan3A_27 = %scan3A_14 to %scan3A_16 step %scan3A_17  : i32 {
      %mul3A_28 = arith.constant 1 : i32
      %mul3A_29 = arith.muli %scan3A_27, %mul3A_28 : i32
      %add3A_30 = arith.constant 0 : i32
      %add3A_31 = arith.addi %add3A_30, %mul3A_29 : i32
      "tpu.region"() ({
        %run_scoped3A = tpu.sem_alloc : memref<!tpu.dma_semaphore, #tpu.memory_space<semaphore_mem>>
        %dma_start3A = arith.constant 0 : i32
        %dma_start3A_32 = tpu.memref_slice %arg6[%add3A_31, %dma_start3A] : memref<40x128xi32, #tpu.memory_space<vmem>> -> memref<1x128xi32, #tpu.memory_space<vmem>>
        %dma_start3A_33 = tpu.memref_squeeze %dma_start3A_32 : memref<1x128xi32, #tpu.memory_space<vmem>> -> memref<128xi32, #tpu.memory_space<vmem>>
        %dma_start3A_34 = arith.constant 0 : i32
        %dma_start3A_35 = arith.constant 0 : i32
        %dma_start3A_36 = tpu.memref_slice %arg2[%dma_start3A_34, %dma_start3A_35] : memref<10000x128xf32, #tpu.memory_space<hbm>> -> memref<10000x128xf32, #tpu.memory_space<hbm>>
        tpu.enqueue_indirect_dma source(%dma_start3A_36 : memref<10000x128xf32, #tpu.memory_space<hbm>>) target(%arg8 : memref<128x128xf32, #tpu.memory_space<vmem>>) offsets(%dma_start3A_33 : memref<128xi32, #tpu.memory_space<vmem>>) semaphore(%run_scoped3A : memref<!tpu.dma_semaphore, #tpu.memory_space<semaphore_mem>>)
        %dma_wait3A = arith.constant 0 : i32
        %dma_wait3A_37 = tpu.memref_slice %arg6[%add3A_31, %dma_wait3A] : memref<40x128xi32, #tpu.memory_space<vmem>> -> memref<1x128xi32, #tpu.memory_space<vmem>>
        %dma_wait3A_38 = tpu.memref_squeeze %dma_wait3A_37 : memref<1x128xi32, #tpu.memory_space<vmem>> -> memref<128xi32, #tpu.memory_space<vmem>>
        %dma_wait3A_39 = arith.constant 0 : i32
        %dma_wait3A_40 = arith.constant 0 : i32
        %dma_wait3A_41 = tpu.memref_slice %arg2[%dma_wait3A_39, %dma_wait3A_40] : memref<10000x128xf32, #tpu.memory_space<hbm>> -> memref<10000x128xf32, #tpu.memory_space<hbm>>
        tpu.wait_indirect_dma semaphore(%run_scoped3A : memref<!tpu.dma_semaphore, #tpu.memory_space<semaphore_mem>>) src(%dma_wait3A_41 : memref<10000x128xf32, #tpu.memory_space<hbm>>) dst(%arg8 : memref<128x128xf32, #tpu.memory_space<vmem>>)
        tpu.yield
      }) : () -> ()
      "tpu.region"() ({
        %run_scoped3A = tpu.sem_alloc : memref<!tpu.dma_semaphore, #tpu.memory_space<semaphore_mem>>
        %dma_start3A = arith.constant 0 : i32
        %dma_start3A_32 = tpu.memref_slice %arg7[%add3A_31, %dma_start3A] : memref<40x128xi32, #tpu.memory_space<vmem>> -> memref<1x128xi32, #tpu.memory_space<vmem>>
        %dma_start3A_33 = tpu.memref_squeeze %dma_start3A_32 : memref<1x128xi32, #tpu.memory_space<vmem>> -> memref<128xi32, #tpu.memory_space<vmem>>
        %dma_start3A_34 = arith.constant 0 : i32
        %dma_start3A_35 = arith.constant 0 : i32
        %dma_start3A_36 = tpu.memref_slice %arg10[%dma_start3A_34, %dma_start3A_35] : memref<10240x128xf32, #tpu.memory_space<vmem_shared>> -> memref<10240x128xf32, #tpu.memory_space<vmem_shared>>
        tpu.enqueue_indirect_dma source(%arg8 : memref<128x128xf32, #tpu.memory_space<vmem>>) target(%dma_start3A_36 : memref<10240x128xf32, #tpu.memory_space<vmem_shared>>) offsets(%dma_start3A_33 : memref<128xi32, #tpu.memory_space<vmem>>) semaphore(%run_scoped3A : memref<!tpu.dma_semaphore, #tpu.memory_space<semaphore_mem>>) {add = true}
        %dma_wait3A = arith.constant 0 : i32
        %dma_wait3A_37 = tpu.memref_slice %arg7[%add3A_31, %dma_wait3A] : memref<40x128xi32, #tpu.memory_space<vmem>> -> memref<1x128xi32, #tpu.memory_space<vmem>>
        %dma_wait3A_38 = tpu.memref_squeeze %dma_wait3A_37 : memref<1x128xi32, #tpu.memory_space<vmem>> -> memref<128xi32, #tpu.memory_space<vmem>>
        %dma_wait3A_39 = arith.constant 0 : i32
        %dma_wait3A_40 = arith.constant 0 : i32
        %dma_wait3A_41 = tpu.memref_slice %arg10[%dma_wait3A_39, %dma_wait3A_40] : memref<10240x128xf32, #tpu.memory_space<vmem_shared>> -> memref<10240x128xf32, #tpu.memory_space<vmem_shared>>
        tpu.wait_indirect_dma semaphore(%run_scoped3A : memref<!tpu.dma_semaphore, #tpu.memory_space<semaphore_mem>>) src(%arg8 : memref<128x128xf32, #tpu.memory_space<vmem>>) dst(%dma_wait3A_41 : memref<10240x128xf32, #tpu.memory_space<vmem_shared>>)
        tpu.yield
      }) : () -> ()
    }
    %scan3A_18 = arith.constant 40 : i32
    %barrier3A_19 = arith.constant 0 : index
    tpu.barrier barrier_id(%barrier3A_19)
    %eq3A = arith.constant 0 : i32
    %eq3A_20 = arith.cmpi eq, %arg0, %eq3A : i32
    %convert_element_type3A = arith.extui %eq3A_20 : i1 to i32
    %cond3A = arith.constant 0 : i32
    %cond3A_21 = arith.cmpi ne, %convert_element_type3A, %cond3A : i32
    scf.if %cond3A_21 {
      %mul3A_27 = arith.constant 640 : i32
      %mul3A_28 = arith.muli %arg1, %mul3A_27 : i32
      %mul3A_29 = arith.constant 640 : i32
      %mul3A_30 = arith.muli %arg1, %mul3A_29 : i32
      %run_scoped3A = arith.constant 0 : i32
      "tpu.region"() ({
        %run_scoped3A_31 = tpu.sem_alloc : memref<!tpu.dma_semaphore, #tpu.memory_space<semaphore_mem>>
        %dma_start3A = arith.constant 0 : i32
        %dma_start3A_32 = tpu.memref_slice %arg5[%run_scoped3A, %mul3A_30, %dma_start3A] : memref<2x10240x128xf32, #tpu.memory_space<hbm>> -> memref<1x640x128xf32, #tpu.memory_space<hbm>>
        %dma_start3A_33 = tpu.memref_squeeze %dma_start3A_32 : memref<1x640x128xf32, #tpu.memory_space<hbm>> -> memref<640x128xf32, #tpu.memory_space<hbm>>
        %dma_start3A_34 = arith.constant 0 : i32
        %dma_start3A_35 = tpu.memref_slice %arg10[%mul3A_28, %dma_start3A_34] : memref<10240x128xf32, #tpu.memory_space<vmem_shared>> -> memref<640x128xf32, #tpu.memory_space<vmem_shared>>
        tpu.enqueue_dma source(%dma_start3A_35 : memref<640x128xf32, #tpu.memory_space<vmem_shared>>) target(%dma_start3A_33 : memref<640x128xf32, #tpu.memory_space<hbm>>) target_semaphore(%run_scoped3A_31 : memref<!tpu.dma_semaphore, #tpu.memory_space<semaphore_mem>>)
        %dma_wait3A = arith.constant 0 : i32
        %dma_wait3A_36 = tpu.memref_slice %arg5[%run_scoped3A, %mul3A_30, %dma_wait3A] : memref<2x10240x128xf32, #tpu.memory_space<hbm>> -> memref<1x640x128xf32, #tpu.memory_space<hbm>>
        %dma_wait3A_37 = tpu.memref_squeeze %dma_wait3A_36 : memref<1x640x128xf32, #tpu.memory_space<hbm>> -> memref<640x128xf32, #tpu.memory_space<hbm>>
        %dma_wait3A_38 = arith.constant 0 : i32
        %dma_wait3A_39 = tpu.memref_slice %arg10[%mul3A_28, %dma_wait3A_38] : memref<10240x128xf32, #tpu.memory_space<vmem_shared>> -> memref<640x128xf32, #tpu.memory_space<vmem_shared>>
        tpu.wait_dma2 semaphore(%run_scoped3A_31 : memref<!tpu.dma_semaphore, #tpu.memory_space<semaphore_mem>>) src(%dma_wait3A_39 : memref<640x128xf32, #tpu.memory_space<vmem_shared>>) dst(%dma_wait3A_37 : memref<640x128xf32, #tpu.memory_space<hbm>>)
        tpu.yield
      }) : () -> ()
    } else {
    }
    %eq3A_22 = arith.constant 1 : i32
    %eq3A_23 = arith.cmpi eq, %arg0, %eq3A_22 : i32
    %convert_element_type3A_24 = arith.extui %eq3A_23 : i1 to i32
    %cond3A_25 = arith.constant 0 : i32
    %cond3A_26 = arith.cmpi ne, %convert_element_type3A_24, %cond3A_25 : i32
    scf.if %cond3A_26 {
      %mul3A_27 = arith.constant 640 : i32
      %mul3A_28 = arith.muli %arg1, %mul3A_27 : i32
      %mul3A_29 = arith.constant 640 : i32
      %mul3A_30 = arith.muli %arg1, %mul3A_29 : i32
      %run_scoped3A = arith.constant 1 : i32
      "tpu.region"() ({
        %run_scoped3A_31 = tpu.sem_alloc : memref<!tpu.dma_semaphore, #tpu.memory_space<semaphore_mem>>
        %dma_start3A = arith.constant 0 : i32
        %dma_start3A_32 = tpu.memref_slice %arg5[%run_scoped3A, %mul3A_30, %dma_start3A] : memref<2x10240x128xf32, #tpu.memory_space<hbm>> -> memref<1x640x128xf32, #tpu.memory_space<hbm>>
        %dma_start3A_33 = tpu.memref_squeeze %dma_start3A_32 : memref<1x640x128xf32, #tpu.memory_space<hbm>> -> memref<640x128xf32, #tpu.memory_space<hbm>>
        %dma_start3A_34 = arith.constant 0 : i32
        %dma_start3A_35 = tpu.memref_slice %arg10[%mul3A_28, %dma_start3A_34] : memref<10240x128xf32, #tpu.memory_space<vmem_shared>> -> memref<640x128xf32, #tpu.memory_space<vmem_shared>>
        tpu.enqueue_dma source(%dma_start3A_35 : memref<640x128xf32, #tpu.memory_space<vmem_shared>>) target(%dma_start3A_33 : memref<640x128xf32, #tpu.memory_space<hbm>>) target_semaphore(%run_scoped3A_31 : memref<!tpu.dma_semaphore, #tpu.memory_space<semaphore_mem>>)
        %dma_wait3A = arith.constant 0 : i32
        %dma_wait3A_36 = tpu.memref_slice %arg5[%run_scoped3A, %mul3A_30, %dma_wait3A] : memref<2x10240x128xf32, #tpu.memory_space<hbm>> -> memref<1x640x128xf32, #tpu.memory_space<hbm>>
        %dma_wait3A_37 = tpu.memref_squeeze %dma_wait3A_36 : memref<1x640x128xf32, #tpu.memory_space<hbm>> -> memref<640x128xf32, #tpu.memory_space<hbm>>
        %dma_wait3A_38 = arith.constant 0 : i32
        %dma_wait3A_39 = tpu.memref_slice %arg10[%mul3A_28, %dma_wait3A_38] : memref<10240x128xf32, #tpu.memory_space<vmem_shared>> -> memref<640x128xf32, #tpu.memory_space<vmem_shared>>
        tpu.wait_dma2 semaphore(%run_scoped3A_31 : memref<!tpu.dma_semaphore, #tpu.memory_space<semaphore_mem>>) src(%dma_wait3A_39 : memref<640x128xf32, #tpu.memory_space<vmem_shared>>) dst(%dma_wait3A_37 : memref<640x128xf32, #tpu.memory_space<hbm>>)
        tpu.yield
      }) : () -> ()
    } else {
    }
    return
  }
}

module attributes {stable_mosaic.version = 14 : i64} {
  func.func @_tc_l1_body(%arg0: i32, %arg1: memref<1000x256xf32, #tpu.memory_space<vmem>>, %arg2: memref<256x256xf32, #tpu.memory_space<vmem>>, %arg3: memref<1000x1xf32, #tpu.memory_space<vmem>>, %arg4: memref<1000x1xf32, #tpu.memory_space<vmem>>, %arg5: memref<1000x128xf32, #tpu.memory_space<vmem>>, %arg6: memref<1000x128xf32, #tpu.memory_space<vmem>>, %arg7: memref<1000x1xf32, #tpu.memory_space<vmem>>) attributes {dimension_semantics = [#tpu.dimension_semantics<arbitrary>], iteration_bounds = array<i64: 10>, scalar_prefetch = 0 : i64, scratch_operands = 0 : i64, tpu.core_type = #tpu.core_type<tc>, window_params = [{transform_indices = @transform_0, window_bounds = array<i64: 1000, 256>}, {pipeline_mode = #tpu.pipeline_mode<synchronous>, transform_indices = @transform_1, window_bounds = array<i64: 256, 256>}, {transform_indices = @transform_2, window_bounds = array<i64: 1000, 1>}, {transform_indices = @transform_3, window_bounds = array<i64: 1000, 1>}, {transform_indices = @transform_4, window_bounds = array<i64: 1000, 128>}, {transform_indices = @transform_5, window_bounds = array<i64: 1000, 128>}, {transform_indices = @transform_6, window_bounds = array<i64: 1000, 1>}]} {
    %get3A = arith.constant 0 : index
    %get3A_0 = arith.constant 0 : index
    %get3A_1 = vector.load %arg3[%get3A, %get3A_0] : memref<1000x1xf32, #tpu.memory_space<vmem>>, vector<1000x1xf32>
    %get3A_2 = arith.constant 0 : index
    %get3A_3 = arith.constant 0 : index
    %get3A_4 = vector.load %arg4[%get3A_2, %get3A_3] : memref<1000x1xf32, #tpu.memory_space<vmem>>, vector<1000x1xf32>
    %add3A = arith.addf %get3A_1, %get3A_4 : vector<1000x1xf32>
    %add3A_5 = arith.constant 1.000000e+00 : f32
    %add3A_6 = vector.broadcast %add3A_5 : f32 to vector<1000x1xf32>
    %add3A_7 = arith.addf %add3A, %add3A_6 : vector<1000x1xf32>
    %max3A = arith.constant 9.99999996E-13 : f32
    %max3A_8 = vector.broadcast %max3A : f32 to vector<1000x1xf32>
    %max3A_9 = arith.maximumf %add3A_7, %max3A_8 : vector<1000x1xf32>
    %rsqrt3A = math.rsqrt %max3A_9 : vector<1000x1xf32>
    %get3A_10 = arith.constant 0 : index
    %get3A_11 = arith.constant 0 : index
    %get3A_12 = vector.load %arg1[%get3A_10, %get3A_11] : memref<1000x256xf32, #tpu.memory_space<vmem>>, vector<1000x256xf32>
    %get3A_13 = arith.constant 0 : index
    %get3A_14 = arith.constant 0 : index
    %get3A_15 = vector.load %arg2[%get3A_13, %get3A_14] : memref<256x256xf32, #tpu.memory_space<vmem>>, vector<256x256xf32>
    %dot_general3A = arith.constant dense<0.000000e+00> : vector<1000x256xf32>
    %dot_general3A_16 = tpu.matmul %get3A_12, %get3A_15, %dot_general3A {dimension_numbers = #tpu.dot_dimension_numbers<[1], [0], [0], [1], [0, 0, 1, 1], [], []>, transpose_lhs_hint = false} : vector<1000x256xf32>, vector<256x256xf32>, vector<1000x256xf32> -> vector<1000x256xf32>
    %mul3A = vector.broadcast %rsqrt3A : vector<1000x1xf32> to vector<1000x256xf32>
    %mul3A_17 = arith.mulf %dot_general3A_16, %mul3A : vector<1000x256xf32>
    %slice3A = vector.extract_strided_slice %mul3A_17 {offsets = [0, 0], sizes = [1000, 128], strides = [1, 1]} : vector<1000x256xf32> to vector<1000x128xf32>
    %swap3A = arith.constant 0 : index
    %swap3A_18 = arith.constant 0 : index
    %swap3A_19 = vector.load %arg5[%swap3A, %swap3A_18] : memref<1000x128xf32, #tpu.memory_space<vmem>>, vector<1000x128xf32>
    tpu.vector_store %arg5[%swap3A, %swap3A_18], %slice3A {strides = array<i32>} : memref<1000x128xf32, #tpu.memory_space<vmem>>, vector<1000x128xf32>,
    %slice3A_20 = vector.extract_strided_slice %mul3A_17 {offsets = [0, 128], sizes = [1000, 128], strides = [1, 1]} : vector<1000x256xf32> to vector<1000x128xf32>
    %swap3A_21 = arith.constant 0 : index
    %swap3A_22 = arith.constant 0 : index
    %swap3A_23 = vector.load %arg6[%swap3A_21, %swap3A_22] : memref<1000x128xf32, #tpu.memory_space<vmem>>, vector<1000x128xf32>
    tpu.vector_store %arg6[%swap3A_21, %swap3A_22], %slice3A_20 {strides = array<i32>} : memref<1000x128xf32, #tpu.memory_space<vmem>>, vector<1000x128xf32>,
    %swap3A_24 = arith.constant 0 : index
    %swap3A_25 = arith.constant 0 : index
    %swap3A_26 = vector.load %arg7[%swap3A_24, %swap3A_25] : memref<1000x1xf32, #tpu.memory_space<vmem>>, vector<1000x1xf32>
    tpu.vector_store %arg7[%swap3A_24, %swap3A_25], %rsqrt3A {strides = array<i32>} : memref<1000x1xf32, #tpu.memory_space<vmem>>, vector<1000x1xf32>,
    return
  }
  func.func @transform_0(%arg0: i32) -> (i32, i32) {
    %c0_i32 = arith.constant 0 : i32
    %c0_i32_0 = arith.constant 0 : i32
    return %arg0, %c0_i32 : i32, i32
  }
  func.func @transform_1(%arg0: i32) -> (i32, i32) {
    %c0_i32 = arith.constant 0 : i32
    %c0_i32_0 = arith.constant 0 : i32
    %c0_i32_1 = arith.constant 0 : i32
    return %c0_i32, %c0_i32_0 : i32, i32
  }
  func.func @transform_2(%arg0: i32) -> (i32, i32) {
    %c0_i32 = arith.constant 0 : i32
    %c0_i32_0 = arith.constant 0 : i32
    return %arg0, %c0_i32 : i32, i32
  }
  func.func @transform_3(%arg0: i32) -> (i32, i32) {
    %c0_i32 = arith.constant 0 : i32
    %c0_i32_0 = arith.constant 0 : i32
    return %arg0, %c0_i32 : i32, i32
  }
  func.func @transform_4(%arg0: i32) -> (i32, i32) {
    %c0_i32 = arith.constant 0 : i32
    %c0_i32_0 = arith.constant 0 : i32
    return %arg0, %c0_i32 : i32, i32
  }
  func.func @transform_5(%arg0: i32) -> (i32, i32) {
    %c0_i32 = arith.constant 0 : i32
    %c0_i32_0 = arith.constant 0 : i32
    return %arg0, %c0_i32 : i32, i32
  }
  func.func @transform_6(%arg0: i32) -> (i32, i32) {
    %c0_i32 = arith.constant 0 : i32
    %c0_i32_0 = arith.constant 0 : i32
    return %arg0, %c0_i32 : i32, i32
  }
}

module attributes {stable_mosaic.version = 14 : i64} {
  func.func @_tc_l2_body(%arg0: i32, %arg1: memref<1x1000x128xf32, #tpu.memory_space<vmem>>, %arg2: memref<1x1000x128xf32, #tpu.memory_space<vmem>>, %arg3: memref<1000x128xf32, #tpu.memory_space<vmem>>, %arg4: memref<1000x128xf32, #tpu.memory_space<vmem>>, %arg5: memref<1000x1xf32, #tpu.memory_space<vmem>>, %arg6: memref<1x256xf32, #tpu.memory_space<vmem>>, %arg7: memref<256x128xf32, #tpu.memory_space<vmem>>, %arg8: memref<1000x128xf32, #tpu.memory_space<vmem>>) attributes {dimension_semantics = [#tpu.dimension_semantics<arbitrary>], iteration_bounds = array<i64: 10>, scalar_prefetch = 0 : i64, scratch_operands = 0 : i64, tpu.core_type = #tpu.core_type<tc>, window_params = [{transform_indices = @transform_0, window_bounds = array<i64: 1, 1000, 128>}, {transform_indices = @transform_1, window_bounds = array<i64: 1, 1000, 128>}, {transform_indices = @transform_2, window_bounds = array<i64: 1000, 128>}, {transform_indices = @transform_3, window_bounds = array<i64: 1000, 128>}, {transform_indices = @transform_4, window_bounds = array<i64: 1000, 1>}, {pipeline_mode = #tpu.pipeline_mode<synchronous>, transform_indices = @transform_5, window_bounds = array<i64: 1, 256>}, {pipeline_mode = #tpu.pipeline_mode<synchronous>, transform_indices = @transform_6, window_bounds = array<i64: 256, 128>}, {transform_indices = @transform_7, window_bounds = array<i64: 1000, 128>}]} {
    %get3A = arith.constant 0 : index
    %get3A_0 = arith.constant 0 : index
    %get3A_1 = vector.load %arg5[%get3A, %get3A_0] : memref<1000x1xf32, #tpu.memory_space<vmem>>, vector<1000x1xf32>
    %get3A_2 = arith.constant 0 : index
    %get3A_3 = arith.constant 0 : index
    %get3A_4 = vector.load %arg6[%get3A_2, %get3A_3] : memref<1x256xf32, #tpu.memory_space<vmem>>, vector<1x256xf32>
    %get3A_5 = arith.constant 0 : index
    %get3A_6 = arith.constant 0 : index
    %get3A_7 = arith.constant 0 : index
    %get3A_8 = vector.load %arg1[%get3A_5, %get3A_6, %get3A_7] : memref<1x1000x128xf32, #tpu.memory_space<vmem>>, vector<1x1000x128xf32>
    %get3A_9 = vector.shape_cast %get3A_8 : vector<1x1000x128xf32> to vector<1000x128xf32>
    %get3A_10 = arith.constant 0 : index
    %get3A_11 = arith.constant 0 : index
    %get3A_12 = vector.load %arg3[%get3A_10, %get3A_11] : memref<1000x128xf32, #tpu.memory_space<vmem>>, vector<1000x128xf32>
    %add3A = arith.addf %get3A_9, %get3A_12 : vector<1000x128xf32>
    %mul3A = vector.broadcast %get3A_1 : vector<1000x1xf32> to vector<1000x128xf32>
    %mul3A_13 = arith.mulf %mul3A, %add3A : vector<1000x128xf32>
    %slice3A = vector.extract_strided_slice %get3A_4 {offsets = [0, 0], sizes = [1, 128], strides = [1, 1]} : vector<1x256xf32> to vector<1x128xf32>
    %add3A_14 = vector.broadcast %slice3A : vector<1x128xf32> to vector<1000x128xf32>
    %add3A_15 = arith.addf %mul3A_13, %add3A_14 : vector<1000x128xf32>
    %max3A = arith.constant 0.000000e+00 : f32
    %max3A_16 = vector.broadcast %max3A : f32 to vector<1000x128xf32>
    %max3A_17 = arith.maximumf %add3A_15, %max3A_16 : vector<1000x128xf32>
    %get3A_18 = arith.constant 0 : index
    %get3A_19 = arith.constant 0 : index
    %get3A_20 = arith.constant 0 : index
    %get3A_21 = vector.load %arg2[%get3A_18, %get3A_19, %get3A_20] : memref<1x1000x128xf32, #tpu.memory_space<vmem>>, vector<1x1000x128xf32>
    %get3A_22 = vector.shape_cast %get3A_21 : vector<1x1000x128xf32> to vector<1000x128xf32>
    %get3A_23 = arith.constant 0 : index
    %get3A_24 = arith.constant 0 : index
    %get3A_25 = vector.load %arg4[%get3A_23, %get3A_24] : memref<1000x128xf32, #tpu.memory_space<vmem>>, vector<1000x128xf32>
    %add3A_26 = arith.addf %get3A_22, %get3A_25 : vector<1000x128xf32>
    %mul3A_27 = vector.broadcast %get3A_1 : vector<1000x1xf32> to vector<1000x128xf32>
    %mul3A_28 = arith.mulf %mul3A_27, %add3A_26 : vector<1000x128xf32>
    %slice3A_29 = vector.extract_strided_slice %get3A_4 {offsets = [0, 128], sizes = [1, 128], strides = [1, 1]} : vector<1x256xf32> to vector<1x128xf32>
    %add3A_30 = vector.broadcast %slice3A_29 : vector<1x128xf32> to vector<1000x128xf32>
    %add3A_31 = arith.addf %mul3A_28, %add3A_30 : vector<1000x128xf32>
    %max3A_32 = arith.constant 0.000000e+00 : f32
    %max3A_33 = vector.broadcast %max3A_32 : f32 to vector<1000x128xf32>
    %max3A_34 = arith.maximumf %add3A_31, %max3A_33 : vector<1000x128xf32>
    %concatenate3A = tpu.concatenate %max3A_17, %max3A_34 in 1 : vector<1000x128xf32>, vector<1000x128xf32> -> vector<1000x256xf32>
    %get3A_35 = arith.constant 0 : index
    %get3A_36 = arith.constant 0 : index
    %get3A_37 = vector.load %arg7[%get3A_35, %get3A_36] : memref<256x128xf32, #tpu.memory_space<vmem>>, vector<256x128xf32>
    %dot_general3A = arith.constant dense<0.000000e+00> : vector<1000x128xf32>
    %dot_general3A_38 = tpu.matmul %concatenate3A, %get3A_37, %dot_general3A {dimension_numbers = #tpu.dot_dimension_numbers<[1], [0], [0], [1], [0, 0, 1, 1], [], []>, transpose_lhs_hint = false} : vector<1000x256xf32>, vector<256x128xf32>, vector<1000x128xf32> -> vector<1000x128xf32>
    %mul3A_39 = vector.broadcast %get3A_1 : vector<1000x1xf32> to vector<1000x128xf32>
    %mul3A_40 = arith.mulf %dot_general3A_38, %mul3A_39 : vector<1000x128xf32>
    %swap3A = arith.constant 0 : index
    %swap3A_41 = arith.constant 0 : index
    %swap3A_42 = vector.load %arg8[%swap3A, %swap3A_41] : memref<1000x128xf32, #tpu.memory_space<vmem>>, vector<1000x128xf32>
    tpu.vector_store %arg8[%swap3A, %swap3A_41], %mul3A_40 {strides = array<i32>} : memref<1000x128xf32, #tpu.memory_space<vmem>>, vector<1000x128xf32>,
    return
  }
  func.func @transform_0(%arg0: i32) -> (i32, i32, i32) {
    %c0_i32 = arith.constant 0 : i32
    %c0_i32_0 = arith.constant 0 : i32
    %c0_i32_1 = arith.constant 0 : i32
    return %c0_i32, %arg0, %c0_i32_0 : i32, i32, i32
  }
  func.func @transform_1(%arg0: i32) -> (i32, i32, i32) {
    %c1_i32 = arith.constant 1 : i32
    %c0_i32 = arith.constant 0 : i32
    %c0_i32_0 = arith.constant 0 : i32
    return %c1_i32, %arg0, %c0_i32 : i32, i32, i32
  }
  func.func @transform_2(%arg0: i32) -> (i32, i32) {
    %c0_i32 = arith.constant 0 : i32
    %c0_i32_0 = arith.constant 0 : i32
    return %arg0, %c0_i32 : i32, i32
  }
  func.func @transform_3(%arg0: i32) -> (i32, i32) {
    %c0_i32 = arith.constant 0 : i32
    %c0_i32_0 = arith.constant 0 : i32
    return %arg0, %c0_i32 : i32, i32
  }
  func.func @transform_4(%arg0: i32) -> (i32, i32) {
    %c0_i32 = arith.constant 0 : i32
    %c0_i32_0 = arith.constant 0 : i32
    return %arg0, %c0_i32 : i32, i32
  }
  func.func @transform_5(%arg0: i32) -> (i32, i32) {
    %c0_i32 = arith.constant 0 : i32
    %c0_i32_0 = arith.constant 0 : i32
    %c0_i32_1 = arith.constant 0 : i32
    return %c0_i32, %c0_i32_0 : i32, i32
  }
  func.func @transform_6(%arg0: i32) -> (i32, i32) {
    %c0_i32 = arith.constant 0 : i32
    %c0_i32_0 = arith.constant 0 : i32
    %c0_i32_1 = arith.constant 0 : i32
    return %c0_i32, %c0_i32_0 : i32, i32
  }
  func.func @transform_7(%arg0: i32) -> (i32, i32) {
    %c0_i32 = arith.constant 0 : i32
    %c0_i32_0 = arith.constant 0 : i32
    return %arg0, %c0_i32 : i32, i32
  }
}

module attributes {stable_mosaic.version = 14 : i64} {
  func.func @_tc_out_body(%arg0: i32, %arg1: memref<1x1000x128xf32, #tpu.memory_space<vmem>>, %arg2: memref<1x1000x128xf32, #tpu.memory_space<vmem>>, %arg3: memref<1000x128xf32, #tpu.memory_space<vmem>>, %arg4: memref<1000x1xf32, #tpu.memory_space<vmem>>, %arg5: memref<1x128xf32, #tpu.memory_space<vmem>>, %arg6: memref<1000x40xf32, #tpu.memory_space<vmem>>) attributes {dimension_semantics = [#tpu.dimension_semantics<arbitrary>], iteration_bounds = array<i64: 10>, scalar_prefetch = 0 : i64, scratch_operands = 0 : i64, tpu.core_type = #tpu.core_type<tc>, window_params = [{transform_indices = @transform_0, window_bounds = array<i64: 1, 1000, 128>}, {transform_indices = @transform_1, window_bounds = array<i64: 1, 1000, 128>}, {transform_indices = @transform_2, window_bounds = array<i64: 1000, 128>}, {transform_indices = @transform_3, window_bounds = array<i64: 1000, 1>}, {pipeline_mode = #tpu.pipeline_mode<synchronous>, transform_indices = @transform_4, window_bounds = array<i64: 1, 128>}, {transform_indices = @transform_5, window_bounds = array<i64: 1000, 40>}]} {
    %get3A = arith.constant 0 : index
    %get3A_0 = arith.constant 0 : index
    %get3A_1 = vector.load %arg4[%get3A, %get3A_0] : memref<1000x1xf32, #tpu.memory_space<vmem>>, vector<1000x1xf32>
    %get3A_2 = arith.constant 0 : index
    %get3A_3 = arith.constant 0 : index
    %get3A_4 = arith.constant 0 : index
    %get3A_5 = vector.load %arg1[%get3A_2, %get3A_3, %get3A_4] : memref<1x1000x128xf32, #tpu.memory_space<vmem>>, vector<1x1000x128xf32>
    %get3A_6 = vector.shape_cast %get3A_5 : vector<1x1000x128xf32> to vector<1000x128xf32>
    %get3A_7 = arith.constant 0 : index
    %get3A_8 = arith.constant 0 : index
    %get3A_9 = arith.constant 0 : index
    %get3A_10 = vector.load %arg2[%get3A_7, %get3A_8, %get3A_9] : memref<1x1000x128xf32, #tpu.memory_space<vmem>>, vector<1x1000x128xf32>
    %get3A_11 = vector.shape_cast %get3A_10 : vector<1x1000x128xf32> to vector<1000x128xf32>
    %add3A = arith.addf %get3A_6, %get3A_11 : vector<1000x128xf32>
    %get3A_12 = arith.constant 0 : index
    %get3A_13 = arith.constant 0 : index
    %get3A_14 = vector.load %arg3[%get3A_12, %get3A_13] : memref<1000x128xf32, #tpu.memory_space<vmem>>, vector<1000x128xf32>
    %add3A_15 = arith.addf %add3A, %get3A_14 : vector<1000x128xf32>
    %mul3A = vector.broadcast %get3A_1 : vector<1000x1xf32> to vector<1000x128xf32>
    %mul3A_16 = arith.mulf %mul3A, %add3A_15 : vector<1000x128xf32>
    %get3A_17 = arith.constant 0 : index
    %get3A_18 = arith.constant 0 : index
    %get3A_19 = vector.load %arg5[%get3A_17, %get3A_18] : memref<1x128xf32, #tpu.memory_space<vmem>>, vector<1x128xf32>
    %add3A_20 = vector.broadcast %get3A_19 : vector<1x128xf32> to vector<1000x128xf32>
    %add3A_21 = arith.addf %mul3A_16, %add3A_20 : vector<1000x128xf32>
    %slice3A = vector.extract_strided_slice %add3A_21 {offsets = [0, 0], sizes = [1000, 40], strides = [1, 1]} : vector<1000x128xf32> to vector<1000x40xf32>
    %reduce_max3A = arith.constant dense<0xFF800000> : vector<1000xf32>
    %reduce_max3A_22 = vector.multi_reduction <maximumf>, %slice3A, %reduce_max3A [1] : vector<1000x40xf32> to vector<1000xf32>
    %broadcast_in_dim3A = vector.shape_cast %reduce_max3A_22 : vector<1000xf32> to vector<1000x1xf32>
    %sub3A = vector.broadcast %broadcast_in_dim3A : vector<1000x1xf32> to vector<1000x40xf32>
    %sub3A_23 = arith.subf %slice3A, %sub3A : vector<1000x40xf32>
    %exp3A = math.exp %sub3A_23 : vector<1000x40xf32>
    %reduce_sum3A = arith.constant dense<0.000000e+00> : vector<1000xf32>
    %reduce_sum3A_24 = vector.multi_reduction <add>, %exp3A, %reduce_sum3A [1] : vector<1000x40xf32> to vector<1000xf32>
    %broadcast_in_dim3A_25 = vector.shape_cast %reduce_sum3A_24 : vector<1000xf32> to vector<1000x1xf32>
    %log3A = math.log %broadcast_in_dim3A_25 : vector<1000x1xf32>
    %add3A_26 = arith.addf %log3A, %broadcast_in_dim3A : vector<1000x1xf32>
    %sub3A_27 = vector.broadcast %add3A_26 : vector<1000x1xf32> to vector<1000x40xf32>
    %sub3A_28 = arith.subf %slice3A, %sub3A_27 : vector<1000x40xf32>
    %swap3A = arith.constant 0 : index
    %swap3A_29 = arith.constant 0 : index
    %swap3A_30 = vector.load %arg6[%swap3A, %swap3A_29] : memref<1000x40xf32, #tpu.memory_space<vmem>>, vector<1000x40xf32>
    tpu.vector_store %arg6[%swap3A, %swap3A_29], %sub3A_28 {strides = array<i32>} : memref<1000x40xf32, #tpu.memory_space<vmem>>, vector<1000x40xf32>,
    return
  }
  func.func @transform_0(%arg0: i32) -> (i32, i32, i32) {
    %c0_i32 = arith.constant 0 : i32
    %c0_i32_0 = arith.constant 0 : i32
    %c0_i32_1 = arith.constant 0 : i32
    return %c0_i32, %arg0, %c0_i32_0 : i32, i32, i32
  }
  func.func @transform_1(%arg0: i32) -> (i32, i32, i32) {
    %c1_i32 = arith.constant 1 : i32
    %c0_i32 = arith.constant 0 : i32
    %c0_i32_0 = arith.constant 0 : i32
    return %c1_i32, %arg0, %c0_i32 : i32, i32, i32
  }
  func.func @transform_2(%arg0: i32) -> (i32, i32) {
    %c0_i32 = arith.constant 0 : i32
    %c0_i32_0 = arith.constant 0 : i32
    return %arg0, %c0_i32 : i32, i32
  }
  func.func @transform_3(%arg0: i32) -> (i32, i32) {
    %c0_i32 = arith.constant 0 : i32
    %c0_i32_0 = arith.constant 0 : i32
    return %arg0, %c0_i32 : i32, i32
  }
  func.func @transform_4(%arg0: i32) -> (i32, i32) {
    %c0_i32 = arith.constant 0 : i32
    %c0_i32_0 = arith.constant 0 : i32
    %c0_i32_1 = arith.constant 0 : i32
    return %c0_i32, %c0_i32_0 : i32, i32
  }
  func.func @transform_5(%arg0: i32) -> (i32, i32) {
    %c0_i32 = arith.constant 0 : i32
    %c0_i32_0 = arith.constant 0 : i32
    return %arg0, %c0_i32 : i32, i32
  }
}

</mosaic_0001>

<sc_bundles>
// kernel: kernel.11.cloned.1.call-start
scs
__scs_entry_jumppad:
0x0: {  	(pc) =	sbr.rel $0x88, $3  }
0x1: {  	(tag) =	ssettag $0x0;
	lr =	simm.s32 $0x1  }
0x2: {  	[smem:$0x3F9B] =	sst lr;
	_ =	strace $0xD0000000  }
0x3: {  	_ = 	snop  }
0x4: {  	_ = 	snop  }
0x5: {  	_ = 	snop  }
0x6: {  	_ = 	snop  }
0x7: {  	_ = 	snop  }
__scs_overlays_trampoline_lowered:
0x8: {  	[smem:$0x3FAA] =	sst s0  }
0x9: {  	[smem:$0x3FAB] =	sst s1  }
0xa: {  	[smem:$0x3FAC] =	sst s2  }
0xb: {  	[smem:$0x3FAD] =	sst s3  }
0xc: {  	[smem:$0x3FAE] =	sst s4  }
0xd: {  	[smem:$0x3FAF] =	sst s5  }
0xe: {  	[smem:$0x3FB0] =	sst s6  }
0xf: {  	[smem:$0x3FB1] =	sst s7  }
0x10: {  	[smem:$0x3FB2] =	sst s8  }
0x11: {  	[smem:$0x3FB3] =	sst s9;
	s0 =	simm.s32 @!p0 $0x0  }
0x12: {  	s1 =	sld [smem:$0x3F99];
	s0 =	simm.s32 @p0 $0x1  }
0x13: {  	[smem:$0x3FB4] =	sst s0;
	s0 =	simm.s32 @!p1 $0x0  }
0x14: {  	s2 =	sld [smem:$0x3F98];
	s0 =	simm.s32 @p1 $0x1  }
0x15: {  	[smem:$0x3FB5] =	sst s0;
	s0 =	simm.s32 @!p2 $0x0  }
0x16: {  	s3 =	sld [smem:$0x3FDB];
	s0 =	simm.s32 @p2 $0x1  }
0x17: {  	s4 =	simm.s32 $0x1BF5;
	[smem:$0x3FB7] =	sst s0  }
0x18: {  	s0 =	sld [smem:$0x3F9A];
	_ =	swait.ge [sflag:s4], $0x0  }
0x19: {  	s7 =	sld [smem:$0x3F9B]  }
0x1a: {  	s8 =	sadd.s32 $0xFFFFE003, lr  }
0x1b: {  	s9 =	sadd.s32 $0xFFFFFEF7, lr;
	s5 =	simm.s32 $0xFFFFFFFF;
	p2 =	slt.u32 s8, $0xFFFFF086  }
0x1c: {  	p1 =	slt.u32 s9, $0xF7A;
	s5 =	simm.s32 @!p2 $0x0  }
0x1d: {  	s5 =	simm.s32 @p1 $0x1;
	p0 =	seq.s32 s7, s2  }
0x1e: {  	s7 =	smul.u32 @!p0 $0xF7A, s2;
	p2 =	seq.s32 @!p0 s5, $0x0  }
0x1f: {  	s9 =	smul.u32 $0xF7A, s1;
	s8 =	simm.s32 @!p0 $0x1BF5;
	p2 =	por !p2, p0  }
0x20: {  	[sflag:s8] =	ssyncset.s32 @!p0 $0xFFFFF086;
	s6 =	sadd.s32 @!p0 s3, s7;
	s7 =	simm.s32 @!p0 $0x108  }
0x21: {  	s3 =	sadd.s32 s3, s9;
	s6 =	sadd.s32 @!p0 $0x88, s6;
	s7 =	simm.s32 @p2 $0x1082  }
0x22: {  	[simem:s7], [sflag:s8] =	dma.local @!p0 [hbm:s6], $0xF7A  }
0x23: {  	s9 =	sor.u32 $0xD0000000, s2;
	s6 =	simm.s32 $0x108;
	_ =	swait.ge @!p0 [sflag:s8], $0x0  }
0x24: {  	s3 =	sadd.s32 $0x88, s3;
	s6 =	simm.s32 @!p1 $0x1082;
	[sflag:s4] =	ssyncset.s32 $0xFFFFF086  }
0x25: {  	[simem:s6], [sflag:s4] =	dma.local [hbm:s3], $0xF7A  }
0x26: {  	[smem:$0x3F9B] =	sst s1;
	(tag) =	ssettag s2;
	_ =	strace s9  }
0x27: {  	s1 =	sld [smem:$0x3FAB]  }
0x28: {  	s2 =	sld [smem:$0x3FAC]  }
0x29: {  	s4 =	sld [smem:$0x3FAE]  }
0x2a: {  	p0 =	seq.s32 s5, $0x0;
	s5 =	sld [smem:$0x3FAF]  }
0x2b: {  	s6 =	sld [smem:$0x3FB0]  }
0x2c: {  	s7 =	sld [smem:$0x3FB1]  }
0x2d: {  	s3 =	simm.s32 $0x108;
	s8 =	sld [smem:$0x3FB2]  }
0x2e: {  	s3 =	simm.s32 @!p0 $0x1082;
	s9 =	sld [smem:$0x3FB3]  }
0x2f: {  	lr =	sadd.s32 s0, s3;
	s0 =	sld [smem:$0x3FAA]  }
0x30: {  	s3 =	sld [smem:$0x3FAD]  }
0x31: {  	[smem:$0x3FB6] =	sst s10  }
0x32: {  	s10 =	sld [smem:$0x3FB4];
	_ =	sdelay $0x3  }
0x33: {  	p0 =	seq.s32 s10, $0x1;
	s10 =	sld [smem:$0x3FB6];
	_ =	sdelay $0x3  }
0x34: {  	[smem:$0x3FB6] =	sst s10  }
0x35: {  	s10 =	sld [smem:$0x3FB5];
	_ =	sdelay $0x3  }
0x36: {  	p1 =	seq.s32 s10, $0x1;
	s10 =	sld [smem:$0x3FB6];
	_ =	sdelay $0x3  }
0x37: {  	[smem:$0x3FB6] =	sst s10  }
0x38: {  	s10 =	sld [smem:$0x3FB7]  }
0x39: {  	_ = 	snop;
	(pc) =	sbr.ind lr, $3  }
0x3a: {  	_ = 	snop  }
0x3b: {  	_ = 	snop  }
0x3c: {  	p2 =	seq.s32 s10, $0x1;
	s10 =	sld [smem:$0x3FB6]  }
0x3d: {  	_ =	shalt  }
0x3e: {  	_ =	shalt  }
0x3f: {  	_ =	shalt  }
0x40: {  	_ =	shalt  }
0x41: {  	_ =	shalt  }
0x42: {  	_ =	shalt  }
0x43: {  	_ =	shalt  }
0x44: {  	_ =	shalt  }
0x45: {  	_ =	shalt  }
0x46: {  	_ =	shalt  }
0x47: {  	_ =	shalt  }
0x48: {  	_ =	shalt  }
0x49: {  	_ =	shalt  }
0x4a: {  	_ =	shalt  }
0x4b: {  	_ =	shalt  }
0x4c: {  	_ =	shalt  }
0x4d: {  	_ =	shalt  }
0x4e: {  	_ =	shalt  }
0x4f: {  	_ =	shalt  }
0x50: {  	_ =	shalt  }
0x51: {  	_ =	shalt  }
0x52: {  	_ =	shalt  }
0x53: {  	_ =	shalt  }
0x54: {  	_ =	shalt  }
0x55: {  	_ =	shalt  }
0x56: {  	_ =	shalt  }
0x57: {  	_ =	shalt  }
0x58: {  	_ =	shalt  }
0x59: {  	_ =	shalt  }
0x5a: {  	_ =	shalt  }
0x5b: {  	_ =	shalt  }
0x5c: {  	_ =	shalt  }
0x5d: {  	_ =	shalt  }
0x5e: {  	_ =	shalt  }
0x5f: {  	_ =	shalt  }
0x60: {  	_ =	shalt  }
0x61: {  	_ =	shalt  }
0x62: {  	_ =	shalt  }
0x63: {  	_ =	shalt  }
0x64: {  	_ =	shalt  }
0x65: {  	_ =	shalt  }
0x66: {  	_ =	shalt  }
0x67: {  	_ =	shalt  }
0x68: {  	_ =	shalt  }
0x69: {  	_ =	shalt  }
0x6a: {  	_ =	shalt  }
0x6b: {  	_ =	shalt  }
0x6c: {  	_ =	shalt  }
0x6d: {  	_ =	shalt  }
0x6e: {  	_ =	shalt  }
0x6f: {  	_ =	shalt  }
0x70: {  	_ =	shalt  }
0x71: {  	_ =	shalt  }
0x72: {  	_ =	shalt  }
0x73: {  	_ =	shalt  }
0x74: {  	_ =	shalt  }
0x75: {  	_ =	shalt  }
0x76: {  	_ =	shalt  }
0x77: {  	_ =	shalt  }
0x78: {  	_ =	shalt  }
0x79: {  	_ =	shalt  }
0x7a: {  	_ =	shalt  }
0x7b: {  	_ =	shalt  }
0x7c: {  	_ =	shalt  }
0x7d: {  	_ =	shalt  }
0x7e: {  	_ =	shalt  }
0x7f: {  	_ =	shalt  }
0x80: {  	_ =	shalt  }
0x81: {  	_ =	shalt  }
0x82: {  	_ =	shalt  }
0x83: {  	_ =	shalt  }
0x84: {  	_ =	shalt  }
0x85: {  	_ =	shalt  }
0x86: {  	_ =	shalt  }
0x87: {  	_ =	shalt  }
.Lfunc_end0:
.L_simem_size_0:
called_computation.1_lowered:
.L_overlay_start_0:
0x88: {  	s2 =	sld [smem:$0x3FD9]  }
0x89: {  	s3 =	sld [smem:$0x3FFE];
	_ =	sdelay $0x1  }
0x8a: {  	s1 =	srdreg.scid  }
0x8b: {  	s0 =	sand.u32 $0x1, s1  }
0x8c: {  	s17 =	sshll.u32 s0, $0xA;
	s2 =	sadd.s32 s3, s2  }
0x8d: {  	s2 =	sadd.s32 s2, s17  }
0x8e: {  	[smem:$0x3FC2] =	sst s2  }
0x8f: {  	_ = 	snop  }
0x90: {  	s2 =	sld [smem:$0x3FD0];
	(tm) =	ssettm $0x1  }
0x91: {  	s18 =	sld [smem:$0x3FFB];
	_ =	sdelay $0x3  }
0x92: {  	_ =	strace s18  }
0x93: {  	s3 =	sld [smem:$0x3FFC];
	_ =	sdelay $0x3  }
0x94: {  	_ =	strace s3  }
0x95: {  	s3 =	sld [smem:$0x3FFD];
	_ =	sdelay $0x3  }
0x96: {  	_ =	strace s3  }
0x97: {  	_ =	strace $0x8FFFFFFF  }
0x98: {  	s19 =	sld [smem:$0x3FDB];
	_ =	sdelay $0x1  }
0x99: {  	s4 =	simm.s32 $_scs_section_size  }
0x9a: {  	s5 =	simm.s32 $_size__tile_overlayer_lowered;
	s6 =	simm.s32 $_tile_overlayer_lowered  }
0x9b: {  	s22 =	simm.s32 $0x1BFF;
	s21 =	sshll.u32 s6, $0x1;
	s3 =	sadd.s32 s4, s19  }
0x9c: {  	s7 =	simm.s32 $0x0;
	s20 =	sshll.u32 s5, $0x1;
	s5 =	sadd.s32 s21, s3  }
0x9d: {  	[timem:s7], [sflag:s22] =	dma.local [hbm:s5], s20  }
0x9e: {  	_ =	swait.ge [sflag:s22], s20  }
0x9f: {  	s4 =	ssub.s32 $0x0, s20;
	[sflag:s22] =	ssyncset.done $0x0  }
0xa0: {  	[sflag:s22] =	ssyncadd.s32 s4;
	_ =	sdelay $0x1  }
0xa1: {  	s23 =	simm.s32 $0x1B8B  }
0xa2: {  	_ =	swait.ge [sflag:s23], $0x1  }
0xa3: {  	[sflag:s23] =	ssyncset.done $0x0  }
0xa4: {  	s25 =	simm.s32 $0x1B8E;
	s24 =	sld [smem:$0x3FFE];
	[sflag:s23] =	ssyncadd.s32 $0xFFFFFFFF  }
0xa5: {  	s26 =	simm.s32 $execute0_lowered;
	[smem:$0x3FD2] =	sst s25  }
0xa6: {  	s5 =	sshll.u32 s26, $0x1;
	_ =	strace $0x80000049;
	[dreg:$0x1] =	wrdreg $0xFFFFFFFF  }
0xa7: {  	s28 =	simm.s32 $_size_execute0_lowered;
	s3 =	sadd.s32 s3, s5;
	[dreg:$0x0] =	wrdreg $0x0  }
0xa8: {  	s5 =	sshll.u32 s28, $0x1;
	[dreg:$0x2] =	wrdreg s3  }
0xa9: {  	[dreg:$0x3] =	wrdreg s5  }
0xaa: {  	[dreg:$0x4] =	wrdreg $0xC0  }
0xab: {  	_ =	task [dreg:s7], $0x5FFFF  }
0xac: {  	[dreg:$0x1] =	wrdreg $0xFFFFFFFF  }
0xad: {  	[dreg:$0x0] =	wrdreg $0x60  }
0xae: {  	[dreg:$0x2] =	wrdreg s24  }
0xaf: {  	[dreg:$0x3] =	wrdreg s2  }
0xb0: {  	[dreg:$0x4] =	wrdreg $0x98000  }
0xb1: {  	[dreg:$0x5] =	wrdreg $0x9  }
0xb2: {  	_ =	task.clear_ibuf [dreg:s7], $0x6FFFF;
	_ =	strace $0x90000049  }
0xb3: {  	s29 =	simm.s32 $0x9;
	_ =	strace $0x8000004B  }
0xb4: {  	_ =	swait.ge [sflag:s29], $0x1  }
0xb5: {  	[sflag:s29] =	ssyncadd.s32 $0xFFFFFFFF  }
0xb6: {  	_ =	strace $0x9000004B  }
0xb7: {  	_ =	sfence  }
0xb8: {  	s30 =	sld [smem:$0x0];
	_ =	sdelay $0x2  }
0xb9: {  	s31 =	sshll.u32 s1, $0xD;
	s1 =	sshrl.u32 s1, $0x2  }
0xba: {  	s3 =	sand.u32 $0x4000, s31;
	s1 =	sadd.s32 s1, s30  }
0xbb: {  	s0 =	sor.u32 s3, s0;
	s1 =	sshll.u32 s1, $0x11  }
0xbc: {  	s0 =	sor.u32 s1, s0  }
0xbd: {  	s0 =	sadd.s32 $0x8F2B, s0  }
0xbe: {  	[sflag:s0] =	ssyncadd.remote.s32 $0x1  }
0xbf: {  	_ =	sfence.sel $0xFFFF  }
0xc0: {  	[dreg:$0x0] =	wrdreg $0xFFFFFFFF;
	(pc) =	sbr.abs _section_cstart, $3  }
0xc1: {  	[dreg:$0x1] =	wrdreg $0xFFFFFFFF  }
0xc2: {  	_ =	task.clear_ibuf [dreg:s7], $0x2FFFF;
	_ =	strace $0x9FFFFFFF  }
0xc3: {  	(tm) =	ssettm $0x7FFFFFFF  }
tec
execute0_lowered:
.L_overlay_start_1:
0x0: {  	(tag) =	ssettag $0x1  }
0x1: {  	s6 =	rddreg [dreg:$0x0]  }
0x2: {  	s9 =	rddreg [dreg:$0x1]  }
0x3: {  	s2 =	rddreg [dreg:$0x2]  }
0x4: {  	s0 =	rddreg [dreg:$0x3];
	s3 =	simm.s32 $0x0  }
0x5: {  	s1 =	stileid.u32;
	s5 =	srdreg.scid;
	s14 =	simm.s32 $0x1  }
0x6: {  	s16 =	simm.s32 $0x80;
	s17 =	simm.s32 $0x5000;
	s10 =	smul.u32 $0x500, s1  }
0x7: {  	[smem:$0x7FF] =	sst s3;
	s4 =	sadd.s32 $0x6E00, s6;
	s7 =	smul.u32 $0x50000, s1  }
0x8: {  	s15 =	sand.u32 $0x1, s5;
	s5 =	sadd.s32 $0x2E000, s6;
	s13 =	smul.u32 $0x14000, s1  }
0x9: {  	s18 =	sshll.u32 s1, $0x6;
	_ =	strace $0x8000004A;
	s11 =	ssub.s32 $0x2, s15  }
0xa: {  	p0 =	sne.s32 s15, $0x0;
	s15 =	simm.s32 $0x2800;
	s18 =	sor.u32 $0x1C01, s18  }
.Ltmp0:
0xb: {  	s8 =	sadd.s32 s10, s6;
	s12 =	sshrl.u32 s11, $0x1;
	(pc) =	sbr.rel .LBB2_1-.Ltmp0, $4  }
0xc: {  	s7 =	sshrl.u32 s7, $0x2;
	s6 =	sadd.s32 $0x55200, s6;
	s9 =	sadd.s32 s9, s10  }
0xd: {  	s31 =	sshrl.u32 s13, $0x3;
	s13 =	simm.s32 $0x9000;
	s12 =	ssub.s32 s11, s12  }
0xe: {  	s7 =	sadd.s32 s7, s2;
	s8 =	sadd.s32 $0x1E00, s8;
	s10 =	sadd.s32 $0x28000, s31  }
0xf: {  	v0 =	vimm.f32 $0.0e+00;
	s11 =	smul.u32 $0x2800, s1;
	s12 =	smax.u32 s12, $0x1;
	s19 =	sshrl.u32 s7, $0x3  }
.LBB2_11:
0x10: {  	s20 =	sshra.s32 s20, $0x2;
	[sflag:s14] =	ssyncadd.s32 $0xFFFFC000  }
0x11: {  	[tilespmem:s17], [sflag:$0x1] =	stream.indirect.gather [hbm4b:s5+s16], $0x80, s20, s16, $0xb8;
	[tilespmem:$0x1D800] =	vst v63  }
0x12: {  	_ =	swait.ge [sflag:s14], $0x4000  }
0x13: {  	[sflag:s14] =	ssyncset.done $0x0  }
0x14: {  	s20 =	sadd.s32 $0x2800, s20;
	[sflag:s14] =	ssyncadd.s32 $0xFFFFC000  }
0x15: {  	[spmem:s2] =	stream.indirect.scatter.add.f32 [tilespmem:s17], [sflag:$0x1], $0x80, s20, s16, $0xb8;
	[tilespmem:$0x1D800] =	vst v63  }
0x16: {  	_ =	swait.ge [sflag:s14], $0x4000  }
0x17: {  	[sflag:s14] =	ssyncset.done $0x0  }
0x18: {  	s20 =	smov.u32 s10;
	[sflag:s14] =	ssyncadd.s32 $0xFFFFC000  }
.LBB2_12:
0x19: {  	s3 =	sadd.s32 $0x1, s3  }
0x1a: {  	p1 =	sne.s32 s3, s12  }
.Ltmp1:
0x1b: {  	s20 =	sadd.s32 s6, s20;
	[bflag:$0x0] =	sbarrier.arrive $0xFFFF;
	(pc) =	sbr.rel @!p1 .LBB2_13-.Ltmp1, $4  }
0x1c: {  	[hbm:s20], [sflag:s18] =	dma.local [spmem:s19], $0x2800  }
0x1d: {  	_ =	swait.ge [sflag:s14], $0x2800  }
0x1e: {  	[sflag:s14] =	ssyncset.done $0x0  }
0x1f: {  	[sflag:s14] =	ssyncadd.s32 $0xFFFFD800  }
.LBB2_1:
0x20: {  	s20 =	simm.s32 $0x0;
	s21 =	simm.s32 $0x200  }
.LBB2_2:
0x21: {  	p1 =	sne.s32 s21, $0x1E00;
	[tilespmem:s20+$0x9070] =	vst v0  }
0x22: {  	[tilespmem:s20+$0x9000] =	vst v0  }
0x23: {  	[tilespmem:s20+$0x9010] =	vst v0  }
.Ltmp2:
0x24: {  	[tilespmem:s20+$0x9020] =	vst v0;
	(pc) =	sbr.rel @p1 .LBB2_2-.Ltmp2, $4  }
0x25: {  	[tilespmem:s20+$0x9030] =	vst v0  }
0x26: {  	[tilespmem:s20+$0x9040] =	vst v0  }
0x27: {  	[tilespmem:s20+$0x9050] =	vst v0  }
0x28: {  	[tilespmem:s20+$0x9060] =	vst v0;
	s20 =	sshra.s32 s21, $0x2;
	s21 =	sadd.s32 $0x200, s21  }
0x29: {  	[tilespmem:s20+$0x9070] =	vst v0  }
0x2a: {  	[tilespmem:s20+$0x9000] =	vst v0  }
0x2b: {  	[tilespmem:s20+$0x9010] =	vst v0  }
0x2c: {  	[tilespmem:s20+$0x9020] =	vst v0  }
0x2d: {  	[tilespmem:s20+$0x9030] =	vst v0  }
0x2e: {  	[tilespmem:s20+$0x9040] =	vst v0  }
0x2f: {  	[tilespmem:s20+$0x9050] =	vst v0  }
0x30: {  	[tilespmem:s20+$0x9060] =	vst v0;
	s31 =	sadd.s32 $0x0, s7  }
0x31: {  	[spmem:s31] =	stream.linear.scatter [tilespmem:s13], [sflag:$0x1], $0x800, $0x38;
	[tilespmem:$0x1D800] =	vst v63  }
0x32: {  	s20 =	simm.s32 $0x2000;
	_ =	swait.ge [sflag:s14], $0x800  }
.LBB2_4:
0x33: {  	s21 =	sshra.s32 s20, $0x2;
	[sflag:s14] =	ssyncset.done $0x0;
	p1 =	sne.s32 s20, $0x4E000  }
.Ltmp3:
0x34: {  	s21 =	sadd.s32 s21, s7;
	[sflag:s14] =	ssyncadd.s32 $0xFFFFF800;
	(pc) =	sbr.rel @p1 .LBB2_4-.Ltmp3, $3  }
0x35: {  	[spmem:s21] =	stream.linear.scatter [tilespmem:s13], [sflag:$0x1], $0x800, $0x38;
	[tilespmem:$0x1D800] =	vst v63  }
0x36: {  	s20 =	sadd.s32 $0x2000, s20;
	_ =	sdelay $0x1  }
0x37: {  	_ =	swait.ge [sflag:s14], $0x800  }
0x38: {  	[sflag:s14] =	ssyncset.done $0x0  }
0x39: {  	s20 =	simm.s32 $0x0;
	[sflag:s14] =	ssyncadd.s32 $0xFFFFF800  }
0x3a: {  	[tilespmem:s20], [sflag:$0x1] =	stream.linear.gather [hbm4b:s8+s20], $0x2800, $0x38;
	[tilespmem:$0x1D800] =	vst v63  }
0x3b: {  	_ =	swait.ge [sflag:s14], $0x2800  }
0x3c: {  	[sflag:s14] =	ssyncset.done $0x0  }
0x3d: {  	[sflag:s14] =	ssyncadd.s32 $0xFFFFD800  }
0x3e: {  	[tilespmem:s15], [sflag:$0x1] =	stream.linear.gather [hbm4b:s9+s20], $0x2800, $0x38;
	[tilespmem:$0x1D800] =	vst v63  }
.Ltmp4:
0x3f: {  	_ =	swait.ge [sflag:s14], $0x2800;
	(pc) =	sbr.rel @p0 .LBB2_9-.Ltmp4, $4  }
0x40: {  	[sflag:s14] =	ssyncset.done $0x0  }
0x41: {  	[sflag:s14] =	ssyncadd.s32 $0xFFFFD800  }
0x42: {  	[bflag:$0x0] =	sbarrier.arrive $0xFFFF  }
0x43: {  	s20 =	simm.s32 $0x0  }
0x44: {  	[tilespmem:s17], [sflag:$0x1] =	stream.indirect.gather [hbm4b:s4+s16], $0x80, s20, s16, $0xb8;
	[tilespmem:$0x1D800] =	vst v63  }
0x45: {  	_ =	swait.ge [sflag:s14], $0x4000  }
0x46: {  	[sflag:s14] =	ssyncset.done $0x0  }
0x47: {  	s31 =	simm.s32 $0x2800;
	[sflag:s14] =	ssyncadd.s32 $0xFFFFC000  }
0x48: {  	[spmem:s2] =	stream.indirect.scatter.add.f32 [tilespmem:s17], [sflag:$0x1], $0x80, s31, s16, $0xb8;
	[tilespmem:$0x1D800] =	vst v63  }
0x49: {  	_ =	swait.ge [sflag:s14], $0x4000  }
0x4a: {  	s20 =	simm.s32 $0x200;
	s21 =	simm.s32 $0x400;
	[sflag:s14] =	ssyncset.done $0x0  }
.LBB2_7:
0x4b: {  	s22 =	sshra.s32 s20, $0x2  }
0x4c: {  	[sflag:s14] =	ssyncadd.s32 $0xFFFFC000;
	s20 =	smov.u32 s21;
	s23 =	sadd.s32 $0x200, s21  }
0x4d: {  	[tilespmem:s17], [sflag:$0x1] =	stream.indirect.gather [hbm4b:s4+s16], $0x80, s22, s16, $0xb8;
	[tilespmem:$0x1D800] =	vst v63  }
0x4e: {  	p1 =	seq.s32 s21, $0x9E00;
	_ =	swait.ge [sflag:s14], $0x4000  }
.Ltmp5:
0x4f: {  	[sflag:s14] =	ssyncset.done $0x0;
	(pc) =	sbr.rel @!p1 .LBB2_7-.Ltmp5, $4  }
0x50: {  	s21 =	sadd.s32 $0x2800, s22;
	[sflag:s14] =	ssyncadd.s32 $0xFFFFC000  }
0x51: {  	[spmem:s2] =	stream.indirect.scatter.add.f32 [tilespmem:s17], [sflag:$0x1], $0x80, s21, s16, $0xb8;
	[tilespmem:$0x1D800] =	vst v63  }
0x52: {  	_ =	swait.ge [sflag:s14], $0x4000  }
0x53: {  	s21 =	smov.u32 s23;
	[sflag:s14] =	ssyncset.done $0x0  }
0x54: {  	s20 =	sshra.s32 s20, $0x2;
	[sflag:s14] =	ssyncadd.s32 $0xFFFFC000  }
0x55: {  	[tilespmem:s17], [sflag:$0x1] =	stream.indirect.gather [hbm4b:s4+s16], $0x80, s20, s16, $0xb8;
	[tilespmem:$0x1D800] =	vst v63  }
0x56: {  	_ =	swait.ge [sflag:s14], $0x4000  }
0x57: {  	[sflag:s14] =	ssyncset.done $0x0  }
.Ltmp6:
0x58: {  	s20 =	sadd.s32 $0x2800, s20;
	[sflag:s14] =	ssyncadd.s32 $0xFFFFC000;
	(pc) =	sbr.rel .LBB2_12-.Ltmp6, $4  }
0x59: {  	[spmem:s2] =	stream.indirect.scatter.add.f32 [tilespmem:s17], [sflag:$0x1], $0x80, s20, s16, $0xb8;
	[tilespmem:$0x1D800] =	vst v63  }
0x5a: {  	_ =	swait.ge [sflag:s14], $0x4000  }
0x5b: {  	[sflag:s14] =	ssyncset.done $0x0  }
0x5c: {  	s20 =	smov.u32 s11;
	[sflag:s14] =	ssyncadd.s32 $0xFFFFC000  }
.LBB2_9:
0x5d: {  	[tilespmem:s17], [sflag:$0x1] =	stream.indirect.gather [hbm4b:s5+s16], $0x80, s20, s16, $0xb8;
	[tilespmem:$0x1D800] =	vst v63  }
0x5e: {  	_ =	swait.ge [sflag:s14], $0x4000  }
0x5f: {  	[sflag:s14] =	ssyncset.done $0x0  }
0x60: {  	s31 =	simm.s32 $0x2800;
	[sflag:s14] =	ssyncadd.s32 $0xFFFFC000  }
0x61: {  	[spmem:s2] =	stream.indirect.scatter.add.f32 [tilespmem:s17], [sflag:$0x1], $0x80, s31, s16, $0xb8;
	[tilespmem:$0x1D800] =	vst v63  }
0x62: {  	_ =	swait.ge [sflag:s14], $0x4000  }
0x63: {  	s20 =	simm.s32 $0x200;
	s21 =	simm.s32 $0x400;
	[sflag:s14] =	ssyncset.done $0x0  }
.LBB2_10:
0x64: {  	s22 =	sshra.s32 s20, $0x2  }
0x65: {  	[sflag:s14] =	ssyncadd.s32 $0xFFFFC000;
	s20 =	smov.u32 s21;
	s23 =	sadd.s32 $0x200, s21  }
0x66: {  	[tilespmem:s17], [sflag:$0x1] =	stream.indirect.gather [hbm4b:s5+s16], $0x80, s22, s16, $0xb8;
	[tilespmem:$0x1D800] =	vst v63  }
0x67: {  	p1 =	sne.s32 s21, $0x9E00;
	_ =	swait.ge [sflag:s14], $0x4000  }
.Ltmp7:
0x68: {  	[sflag:s14] =	ssyncset.done $0x0;
	(pc) =	sbr.rel @p1 .LBB2_10-.Ltmp7, $4  }
0x69: {  	s21 =	sadd.s32 $0x2800, s22;
	[sflag:s14] =	ssyncadd.s32 $0xFFFFC000  }
0x6a: {  	[spmem:s2] =	stream.indirect.scatter.add.f32 [tilespmem:s17], [sflag:$0x1], $0x80, s21, s16, $0xb8;
	[tilespmem:$0x1D800] =	vst v63  }
0x6b: {  	_ =	swait.ge [sflag:s14], $0x4000  }
0x6c: {  	s21 =	smov.u32 s23;
	[sflag:s14] =	ssyncset.done $0x0  }
.Ltmp8:
0x6d: {  	_ = 	snop;
	(pc) =	sbr.rel .LBB2_11-.Ltmp8, $1  }
0x6e: {  	_ =	sdelay $0x3  }
.LBB2_13:
0x6f: {  	_ =	sfence.sel $0x180000  }
0x70: {  	[bflag:$0x0] =	sbarrier.arrive $0xFFFF  }
0x71: {  	p0 =	sne.s32 s1, $0x0;
	_ =	strace $0x9000004A  }
0x72: {  	s0 =	sadd.s32 @!p0 $0x100000, s0;
	[bflag:$0x2] =	sbarrier.arrive $0xFFFF  }
0x73: {  	[sflag:s0] =	ssyncadd.tile.s32 @!p0 $0x1;
	_ =	shalt  }
.Lfunc_end2:
_tile_overlayer_lowered:
.L_overlay_start_2:
0x74: {  	(tag) =	ssettag $0x2  }
0x75: {  	s0 =	rddreg [dreg:$0x0];
	s2 =	stileid.u32  }
0x76: {  	s1 =	rddreg [dreg:$0x1];
	p0 =	sne.s32 s2, $0x0  }
0x77: {  	s3 =	rddreg [dreg:$0x2];
	[bflag:$0x3] =	sbarrier.arrive $0xFFFF;
	s2 =	simm.s32 @!p0 $0x1C01  }
0x78: {  	[timem:s3], [sflag:s2] =	dma.local @!p0 [hbm:s0], s1  }
0x79: {  	s0 =	simm.s32 @!p0 $0x1  }
0x7a: {  	_ =	swait.ge @!p0 [sflag:s0], s1  }
0x7b: {  	s1 =	ssub.s32 @!p0 $0x0, s1;
	[sflag:s0] =	ssyncset.done @!p0 $0x0  }
0x7c: {  	[sflag:s0] =	ssyncadd.s32 @!p0 s1  }
0x7d: {  	[bflag:$0x3] =	sbarrier.arrive $0xFFFF  }
0x7e: {  	_ =	shalt  }

// kernel: kernel.14.cloned.1.call-start
scs
__scs_entry_jumppad:
0x0: {  	(pc) =	sbr.rel $0x88, $3  }
0x1: {  	(tag) =	ssettag $0x0;
	lr =	simm.s32 $0x1  }
0x2: {  	[smem:$0x3F9B] =	sst lr;
	_ =	strace $0xD0000000  }
0x3: {  	_ = 	snop  }
0x4: {  	_ = 	snop  }
0x5: {  	_ = 	snop  }
0x6: {  	_ = 	snop  }
0x7: {  	_ = 	snop  }
__scs_overlays_trampoline_lowered:
0x8: {  	[smem:$0x3FAA] =	sst s0  }
0x9: {  	[smem:$0x3FAB] =	sst s1  }
0xa: {  	[smem:$0x3FAC] =	sst s2  }
0xb: {  	[smem:$0x3FAD] =	sst s3  }
0xc: {  	[smem:$0x3FAE] =	sst s4  }
0xd: {  	[smem:$0x3FAF] =	sst s5  }
0xe: {  	[smem:$0x3FB0] =	sst s6  }
0xf: {  	[smem:$0x3FB1] =	sst s7  }
0x10: {  	[smem:$0x3FB2] =	sst s8  }
0x11: {  	[smem:$0x3FB3] =	sst s9;
	s0 =	simm.s32 @!p0 $0x0  }
0x12: {  	s1 =	sld [smem:$0x3F99];
	s0 =	simm.s32 @p0 $0x1  }
0x13: {  	[smem:$0x3FB4] =	sst s0;
	s0 =	simm.s32 @!p1 $0x0  }
0x14: {  	s2 =	sld [smem:$0x3F98];
	s0 =	simm.s32 @p1 $0x1  }
0x15: {  	[smem:$0x3FB5] =	sst s0;
	s0 =	simm.s32 @!p2 $0x0  }
0x16: {  	s3 =	sld [smem:$0x3FDB];
	s0 =	simm.s32 @p2 $0x1  }
0x17: {  	s4 =	simm.s32 $0x1BF5;
	[smem:$0x3FB7] =	sst s0  }
0x18: {  	s0 =	sld [smem:$0x3F9A];
	_ =	swait.ge [sflag:s4], $0x0  }
0x19: {  	s7 =	sld [smem:$0x3F9B]  }
0x1a: {  	s8 =	sadd.s32 $0xFFFFE003, lr  }
0x1b: {  	s9 =	sadd.s32 $0xFFFFFEF7, lr;
	s5 =	simm.s32 $0xFFFFFFFF;
	p2 =	slt.u32 s8, $0xFFFFF086  }
0x1c: {  	p1 =	slt.u32 s9, $0xF7A;
	s5 =	simm.s32 @!p2 $0x0  }
0x1d: {  	s5 =	simm.s32 @p1 $0x1;
	p0 =	seq.s32 s7, s2  }
0x1e: {  	s7 =	smul.u32 @!p0 $0xF7A, s2;
	p2 =	seq.s32 @!p0 s5, $0x0  }
0x1f: {  	s9 =	smul.u32 $0xF7A, s1;
	s8 =	simm.s32 @!p0 $0x1BF5;
	p2 =	por !p2, p0  }
0x20: {  	[sflag:s8] =	ssyncset.s32 @!p0 $0xFFFFF086;
	s6 =	sadd.s32 @!p0 s3, s7;
	s7 =	simm.s32 @!p0 $0x108  }
0x21: {  	s3 =	sadd.s32 s3, s9;
	s6 =	sadd.s32 @!p0 $0x88, s6;
	s7 =	simm.s32 @p2 $0x1082  }
0x22: {  	[simem:s7], [sflag:s8] =	dma.local @!p0 [hbm:s6], $0xF7A  }
0x23: {  	s9 =	sor.u32 $0xD0000000, s2;
	s6 =	simm.s32 $0x108;
	_ =	swait.ge @!p0 [sflag:s8], $0x0  }
0x24: {  	s3 =	sadd.s32 $0x88, s3;
	s6 =	simm.s32 @!p1 $0x1082;
	[sflag:s4] =	ssyncset.s32 $0xFFFFF086  }
0x25: {  	[simem:s6], [sflag:s4] =	dma.local [hbm:s3], $0xF7A  }
0x26: {  	[smem:$0x3F9B] =	sst s1;
	(tag) =	ssettag s2;
	_ =	strace s9  }
0x27: {  	s1 =	sld [smem:$0x3FAB]  }
0x28: {  	s2 =	sld [smem:$0x3FAC]  }
0x29: {  	s4 =	sld [smem:$0x3FAE]  }
0x2a: {  	p0 =	seq.s32 s5, $0x0;
	s5 =	sld [smem:$0x3FAF]  }
0x2b: {  	s6 =	sld [smem:$0x3FB0]  }
0x2c: {  	s7 =	sld [smem:$0x3FB1]  }
0x2d: {  	s3 =	simm.s32 $0x108;
	s8 =	sld [smem:$0x3FB2]  }
0x2e: {  	s3 =	simm.s32 @!p0 $0x1082;
	s9 =	sld [smem:$0x3FB3]  }
0x2f: {  	lr =	sadd.s32 s0, s3;
	s0 =	sld [smem:$0x3FAA]  }
0x30: {  	s3 =	sld [smem:$0x3FAD]  }
0x31: {  	[smem:$0x3FB6] =	sst s10  }
0x32: {  	s10 =	sld [smem:$0x3FB4];
	_ =	sdelay $0x3  }
0x33: {  	p0 =	seq.s32 s10, $0x1;
	s10 =	sld [smem:$0x3FB6];
	_ =	sdelay $0x3  }
0x34: {  	[smem:$0x3FB6] =	sst s10  }
0x35: {  	s10 =	sld [smem:$0x3FB5];
	_ =	sdelay $0x3  }
0x36: {  	p1 =	seq.s32 s10, $0x1;
	s10 =	sld [smem:$0x3FB6];
	_ =	sdelay $0x3  }
0x37: {  	[smem:$0x3FB6] =	sst s10  }
0x38: {  	s10 =	sld [smem:$0x3FB7]  }
0x39: {  	_ = 	snop;
	(pc) =	sbr.ind lr, $3  }
0x3a: {  	_ = 	snop  }
0x3b: {  	_ = 	snop  }
0x3c: {  	p2 =	seq.s32 s10, $0x1;
	s10 =	sld [smem:$0x3FB6]  }
0x3d: {  	_ =	shalt  }
0x3e: {  	_ =	shalt  }
0x3f: {  	_ =	shalt  }
0x40: {  	_ =	shalt  }
0x41: {  	_ =	shalt  }
0x42: {  	_ =	shalt  }
0x43: {  	_ =	shalt  }
0x44: {  	_ =	shalt  }
0x45: {  	_ =	shalt  }
0x46: {  	_ =	shalt  }
0x47: {  	_ =	shalt  }
0x48: {  	_ =	shalt  }
0x49: {  	_ =	shalt  }
0x4a: {  	_ =	shalt  }
0x4b: {  	_ =	shalt  }
0x4c: {  	_ =	shalt  }
0x4d: {  	_ =	shalt  }
0x4e: {  	_ =	shalt  }
0x4f: {  	_ =	shalt  }
0x50: {  	_ =	shalt  }
0x51: {  	_ =	shalt  }
0x52: {  	_ =	shalt  }
0x53: {  	_ =	shalt  }
0x54: {  	_ =	shalt  }
0x55: {  	_ =	shalt  }
0x56: {  	_ =	shalt  }
0x57: {  	_ =	shalt  }
0x58: {  	_ =	shalt  }
0x59: {  	_ =	shalt  }
0x5a: {  	_ =	shalt  }
0x5b: {  	_ =	shalt  }
0x5c: {  	_ =	shalt  }
0x5d: {  	_ =	shalt  }
0x5e: {  	_ =	shalt  }
0x5f: {  	_ =	shalt  }
0x60: {  	_ =	shalt  }
0x61: {  	_ =	shalt  }
0x62: {  	_ =	shalt  }
0x63: {  	_ =	shalt  }
0x64: {  	_ =	shalt  }
0x65: {  	_ =	shalt  }
0x66: {  	_ =	shalt  }
0x67: {  	_ =	shalt  }
0x68: {  	_ =	shalt  }
0x69: {  	_ =	shalt  }
0x6a: {  	_ =	shalt  }
0x6b: {  	_ =	shalt  }
0x6c: {  	_ =	shalt  }
0x6d: {  	_ =	shalt  }
0x6e: {  	_ =	shalt  }
0x6f: {  	_ =	shalt  }
0x70: {  	_ =	shalt  }
0x71: {  	_ =	shalt  }
0x72: {  	_ =	shalt  }
0x73: {  	_ =	shalt  }
0x74: {  	_ =	shalt  }
0x75: {  	_ =	shalt  }
0x76: {  	_ =	shalt  }
0x77: {  	_ =	shalt  }
0x78: {  	_ =	shalt  }
0x79: {  	_ =	shalt  }
0x7a: {  	_ =	shalt  }
0x7b: {  	_ =	shalt  }
0x7c: {  	_ =	shalt  }
0x7d: {  	_ =	shalt  }
0x7e: {  	_ =	shalt  }
0x7f: {  	_ =	shalt  }
0x80: {  	_ =	shalt  }
0x81: {  	_ =	shalt  }
0x82: {  	_ =	shalt  }
0x83: {  	_ =	shalt  }
0x84: {  	_ =	shalt  }
0x85: {  	_ =	shalt  }
0x86: {  	_ =	shalt  }
0x87: {  	_ =	shalt  }
.Lfunc_end0:
.L_simem_size_0:
called_computation.2_lowered:
.L_overlay_start_0:
0x88: {  	s2 =	sld [smem:$0x3FD9]  }
0x89: {  	s3 =	sld [smem:$0x3FFE];
	_ =	sdelay $0x1  }
0x8a: {  	s1 =	srdreg.scid  }
0x8b: {  	s0 =	sand.u32 $0x1, s1  }
0x8c: {  	s17 =	sshll.u32 s0, $0xA;
	s2 =	sadd.s32 s3, s2  }
0x8d: {  	s2 =	sadd.s32 s2, s17  }
0x8e: {  	[smem:$0x3FC2] =	sst s2  }
0x8f: {  	_ = 	snop  }
0x90: {  	s2 =	sld [smem:$0x3FD0];
	(tm) =	ssettm $0x1  }
0x91: {  	s18 =	sld [smem:$0x3FFB];
	_ =	sdelay $0x3  }
0x92: {  	_ =	strace s18  }
0x93: {  	s3 =	sld [smem:$0x3FFC];
	_ =	sdelay $0x3  }
0x94: {  	_ =	strace s3  }
0x95: {  	s3 =	sld [smem:$0x3FFD];
	_ =	sdelay $0x3  }
0x96: {  	_ =	strace s3  }
0x97: {  	_ =	strace $0x8FFFFFFF  }
0x98: {  	s19 =	sld [smem:$0x3FDB];
	_ =	sdelay $0x1  }
0x99: {  	s4 =	simm.s32 $_scs_section_size  }
0x9a: {  	s5 =	simm.s32 $_size__tile_overlayer_lowered;
	s6 =	simm.s32 $_tile_overlayer_lowered  }
0x9b: {  	s22 =	simm.s32 $0x1BFF;
	s21 =	sshll.u32 s6, $0x1;
	s3 =	sadd.s32 s4, s19  }
0x9c: {  	s7 =	simm.s32 $0x0;
	s20 =	sshll.u32 s5, $0x1;
	s5 =	sadd.s32 s21, s3  }
0x9d: {  	[timem:s7], [sflag:s22] =	dma.local [hbm:s5], s20  }
0x9e: {  	_ =	swait.ge [sflag:s22], s20  }
0x9f: {  	s4 =	ssub.s32 $0x0, s20;
	[sflag:s22] =	ssyncset.done $0x0  }
0xa0: {  	[sflag:s22] =	ssyncadd.s32 s4;
	_ =	sdelay $0x1  }
0xa1: {  	s23 =	simm.s32 $0x1B8B  }
0xa2: {  	_ =	swait.ge [sflag:s23], $0x1  }
0xa3: {  	[sflag:s23] =	ssyncset.done $0x0  }
0xa4: {  	s25 =	simm.s32 $0x1B8E;
	s24 =	sld [smem:$0x3FFE];
	[sflag:s23] =	ssyncadd.s32 $0xFFFFFFFF  }
0xa5: {  	s26 =	simm.s32 $execute0_lowered;
	[smem:$0x3FD2] =	sst s25  }
0xa6: {  	s5 =	sshll.u32 s26, $0x1;
	_ =	strace $0x8000004C;
	[dreg:$0x1] =	wrdreg $0xFFFFFFFF  }
0xa7: {  	s28 =	simm.s32 $_size_execute0_lowered;
	s3 =	sadd.s32 s3, s5;
	[dreg:$0x0] =	wrdreg $0x0  }
0xa8: {  	s5 =	sshll.u32 s28, $0x1;
	[dreg:$0x2] =	wrdreg s3  }
0xa9: {  	[dreg:$0x3] =	wrdreg s5  }
0xaa: {  	[dreg:$0x4] =	wrdreg $0xC0  }
0xab: {  	_ =	task [dreg:s7], $0x5FFFF  }
0xac: {  	[dreg:$0x1] =	wrdreg $0xFFFFFFFF  }
0xad: {  	[dreg:$0x0] =	wrdreg $0x60  }
0xae: {  	[dreg:$0x2] =	wrdreg s24  }
0xaf: {  	[dreg:$0x3] =	wrdreg s2  }
0xb0: {  	[dreg:$0x4] =	wrdreg $0x70000  }
0xb1: {  	[dreg:$0x5] =	wrdreg $0x9  }
0xb2: {  	_ =	task.clear_ibuf [dreg:s7], $0x6FFFF;
	_ =	strace $0x9000004C  }
0xb3: {  	s29 =	simm.s32 $0x9;
	_ =	strace $0x8000004E  }
0xb4: {  	_ =	swait.ge [sflag:s29], $0x1  }
0xb5: {  	[sflag:s29] =	ssyncadd.s32 $0xFFFFFFFF  }
0xb6: {  	_ =	strace $0x9000004E  }
0xb7: {  	_ =	sfence  }
0xb8: {  	s30 =	sld [smem:$0x0];
	_ =	sdelay $0x2  }
0xb9: {  	s31 =	sshll.u32 s1, $0xD;
	s1 =	sshrl.u32 s1, $0x2  }
0xba: {  	s3 =	sand.u32 $0x4000, s31;
	s1 =	sadd.s32 s1, s30  }
0xbb: {  	s0 =	sor.u32 s3, s0;
	s1 =	sshll.u32 s1, $0x11  }
0xbc: {  	s0 =	sor.u32 s1, s0  }
0xbd: {  	s0 =	sadd.s32 $0x8F2B, s0  }
0xbe: {  	[sflag:s0] =	ssyncadd.remote.s32 $0x1  }
0xbf: {  	_ =	sfence.sel $0xFFFF  }
0xc0: {  	[dreg:$0x0] =	wrdreg $0xFFFFFFFF;
	(pc) =	sbr.abs _section_cstart, $3  }
0xc1: {  	[dreg:$0x1] =	wrdreg $0xFFFFFFFF  }
0xc2: {  	_ =	task.clear_ibuf [dreg:s7], $0x2FFFF;
	_ =	strace $0x9FFFFFFF  }
0xc3: {  	(tm) =	ssettm $0x7FFFFFFF  }
tec
execute0_lowered:
.L_overlay_start_1:
0x0: {  	(tag) =	ssettag $0x1  }
0x1: {  	s5 =	rddreg [dreg:$0x0]  }
0x2: {  	s7 =	rddreg [dreg:$0x1]  }
0x3: {  	s0 =	srdreg.scid;
	s2 =	rddreg [dreg:$0x2]  }
0x4: {  	s3 =	simm.s32 $0x0;
	s6 =	sand.u32 $0x1, s0;
	s0 =	stileid.u32  }
0x5: {  	s13 =	simm.s32 $0x80;
	s14 =	simm.s32 $0x2800;
	s9 =	smul.u32 $0x14000, s0  }
0x6: {  	[smem:$0x7FF] =	sst s3;
	s1 =	sshll.u32 s6, $0x4;
	s10 =	smul.u32 $0x2800, s0  }
0x7: {  	s12 =	smul.u32 $0x50000, s0;
	p0 =	seq.s32 s6, $0x1;
	s6 =	ssub.s32 $0x2, s6  }
0x8: {  	s15 =	sshll.u32 s0, $0x6;
	s4 =	sor.u32 s0, s1;
	s1 =	rddreg [dreg:$0x3]  }
0x9: {  	_ =	strace $0x8000004D;
	s31 =	sshrl.u32 s6, $0x1;
	s8 =	smul.u32 $0x280, s4  }
0xa: {  	s15 =	sor.u32 $0x1C01, s15;
	s4 =	sadd.s32 $0x6E00, s5;
	s9 =	sshrl.u32 s9, $0x3  }
0xb: {  	s12 =	sshrl.u32 s12, $0x2;
	s9 =	sadd.s32 $0x28000, s9;
	s11 =	sadd.s32 s8, s5  }
0xc: {  	s10 =	smov.u32 @p0 s9;
	s9 =	ssub.s32 s6, s31;
	s7 =	sadd.s32 s7, s8  }
0xd: {  	s10 =	sadd.s32 s10, s5;
	s5 =	sadd.s32 s12, s2;
	s6 =	sadd.s32 $0x1E00, s11  }
0xe: {  	s8 =	smax.u32 s9, $0x1;
	s11 =	simm.s32 $0x1;
	s12 =	simm.s32 $0x1400  }
0xf: {  	v0 =	vimm.f32 $0.0e+00;
	s9 =	sadd.s32 $0x2E000, s10;
	s10 =	simm.s32 $0x6800;
	s16 =	sshrl.u32 s5, $0x3  }
.LBB2_1:
0x10: {  	s17 =	simm.s32 $0x0;
	s18 =	simm.s32 $0x200  }
.LBB2_2:
0x11: {  	p0 =	sne.s32 s18, $0x1E00;
	[tilespmem:s17+$0x6870] =	vst v0  }
0x12: {  	[tilespmem:s17+$0x6800] =	vst v0  }
0x13: {  	[tilespmem:s17+$0x6810] =	vst v0  }
.Ltmp0:
0x14: {  	[tilespmem:s17+$0x6820] =	vst v0;
	(pc) =	sbr.rel @p0 .LBB2_2-.Ltmp0, $4  }
0x15: {  	[tilespmem:s17+$0x6830] =	vst v0  }
0x16: {  	[tilespmem:s17+$0x6840] =	vst v0  }
0x17: {  	[tilespmem:s17+$0x6850] =	vst v0  }
0x18: {  	[tilespmem:s17+$0x6860] =	vst v0;
	s17 =	sshra.s32 s18, $0x2;
	s18 =	sadd.s32 $0x200, s18  }
0x19: {  	[tilespmem:s17+$0x6870] =	vst v0  }
0x1a: {  	[tilespmem:s17+$0x6800] =	vst v0  }
0x1b: {  	[tilespmem:s17+$0x6810] =	vst v0  }
0x1c: {  	[tilespmem:s17+$0x6820] =	vst v0  }
0x1d: {  	[tilespmem:s17+$0x6830] =	vst v0  }
0x1e: {  	[tilespmem:s17+$0x6840] =	vst v0  }
0x1f: {  	[tilespmem:s17+$0x6850] =	vst v0  }
0x20: {  	[tilespmem:s17+$0x6860] =	vst v0;
	s31 =	sadd.s32 $0x0, s5  }
0x21: {  	[spmem:s31] =	stream.linear.scatter [tilespmem:s10], [sflag:$0x1], $0x800, $0x38;
	[tilespmem:$0x1B000] =	vst v63  }
0x22: {  	s17 =	simm.s32 $0x2000;
	_ =	swait.ge [sflag:s11], $0x800  }
.LBB2_4:
0x23: {  	s18 =	sshra.s32 s17, $0x2;
	[sflag:s11] =	ssyncset.done $0x0;
	p0 =	sne.s32 s17, $0x4E000  }
.Ltmp1:
0x24: {  	s18 =	sadd.s32 s18, s5;
	[sflag:s11] =	ssyncadd.s32 $0xFFFFF800;
	(pc) =	sbr.rel @p0 .LBB2_4-.Ltmp1, $3  }
0x25: {  	[spmem:s18] =	stream.linear.scatter [tilespmem:s10], [sflag:$0x1], $0x800, $0x38;
	[tilespmem:$0x1B000] =	vst v63  }
0x26: {  	s17 =	sadd.s32 $0x2000, s17;
	_ =	sdelay $0x1  }
0x27: {  	_ =	swait.ge [sflag:s11], $0x800  }
0x28: {  	[sflag:s11] =	ssyncset.done $0x0  }
0x29: {  	s17 =	simm.s32 $0x0;
	[sflag:s11] =	ssyncadd.s32 $0xFFFFF800  }
0x2a: {  	[tilespmem:s17], [sflag:$0x1] =	stream.linear.gather [hbm4b:s6+s17], $0x1400, $0x38;
	[tilespmem:$0x1B000] =	vst v63  }
0x2b: {  	_ =	swait.ge [sflag:s11], $0x1400  }
0x2c: {  	[sflag:s11] =	ssyncset.done $0x0  }
0x2d: {  	[sflag:s11] =	ssyncadd.s32 $0xFFFFEC00  }
0x2e: {  	[tilespmem:s12], [sflag:$0x1] =	stream.linear.gather [hbm4b:s7+s17], $0x1400, $0x38;
	[tilespmem:$0x1B000] =	vst v63  }
0x2f: {  	_ =	swait.ge [sflag:s11], $0x1400  }
0x30: {  	[sflag:s11] =	ssyncset.done $0x0  }
0x31: {  	[sflag:s11] =	ssyncadd.s32 $0xFFFFEC00  }
0x32: {  	s30 =	simm.s32 $0x0;
	[bflag:$0x0] =	sbarrier.arrive $0xFFFF  }
0x33: {  	[tilespmem:s14], [sflag:$0x1] =	stream.indirect.gather [hbm4b:s4+s13], $0x80, s30, s13, $0xb8;
	[tilespmem:$0x1B000] =	vst v63  }
0x34: {  	_ =	swait.ge [sflag:s11], $0x4000  }
0x35: {  	[sflag:s11] =	ssyncset.done $0x0  }
0x36: {  	s31 =	simm.s32 $0x1400;
	[sflag:s11] =	ssyncadd.s32 $0xFFFFC000  }
0x37: {  	[spmem:s2] =	stream.indirect.scatter.add.f32 [tilespmem:s14], [sflag:$0x1], $0x80, s31, s13, $0xb8;
	[tilespmem:$0x1B000] =	vst v63  }
0x38: {  	_ =	swait.ge [sflag:s11], $0x4000  }
0x39: {  	s18 =	simm.s32 $0x400;
	s17 =	simm.s32 $0x200;
	[sflag:s11] =	ssyncset.done $0x0  }
.LBB2_6:
0x3a: {  	s19 =	sshra.s32 s17, $0x2  }
0x3b: {  	[sflag:s11] =	ssyncadd.s32 $0xFFFFC000;
	s17 =	smov.u32 s18;
	s20 =	sadd.s32 $0x200, s18  }
0x3c: {  	[tilespmem:s14], [sflag:$0x1] =	stream.indirect.gather [hbm4b:s4+s13], $0x80, s19, s13, $0xb8;
	[tilespmem:$0x1B000] =	vst v63  }
0x3d: {  	p0 =	sne.s32 s18, $0x4E00;
	_ =	swait.ge [sflag:s11], $0x4000  }
.Ltmp2:
0x3e: {  	[sflag:s11] =	ssyncset.done $0x0;
	(pc) =	sbr.rel @p0 .LBB2_6-.Ltmp2, $4  }
0x3f: {  	s18 =	sadd.s32 $0x1400, s19;
	[sflag:s11] =	ssyncadd.s32 $0xFFFFC000  }
0x40: {  	[spmem:s2] =	stream.indirect.scatter.add.f32 [tilespmem:s14], [sflag:$0x1], $0x80, s18, s13, $0xb8;
	[tilespmem:$0x1B000] =	vst v63  }
0x41: {  	_ =	swait.ge [sflag:s11], $0x4000  }
0x42: {  	s18 =	smov.u32 s20;
	[sflag:s11] =	ssyncset.done $0x0  }
0x43: {  	s17 =	sshra.s32 s17, $0x2;
	[sflag:s11] =	ssyncadd.s32 $0xFFFFC000  }
0x44: {  	[tilespmem:s14], [sflag:$0x1] =	stream.indirect.gather [hbm4b:s4+s13], $0x80, s17, s13, $0xb8;
	[tilespmem:$0x1B000] =	vst v63  }
0x45: {  	_ =	swait.ge [sflag:s11], $0x4000  }
0x46: {  	[sflag:s11] =	ssyncset.done $0x0  }
0x47: {  	s17 =	sadd.s32 $0x1400, s17;
	[sflag:s11] =	ssyncadd.s32 $0xFFFFC000  }
0x48: {  	[spmem:s2] =	stream.indirect.scatter.add.f32 [tilespmem:s14], [sflag:$0x1], $0x80, s17, s13, $0xb8;
	[tilespmem:$0x1B000] =	vst v63  }
0x49: {  	_ =	swait.ge [sflag:s11], $0x4000  }
0x4a: {  	s3 =	sadd.s32 $0x1, s3;
	[sflag:s11] =	ssyncset.done $0x0  }
0x4b: {  	p0 =	sne.s32 s3, s8;
	[sflag:s11] =	ssyncadd.s32 $0xFFFFC000  }
.Ltmp3:
0x4c: {  	[bflag:$0x0] =	sbarrier.arrive $0xFFFF;
	(pc) =	sbr.rel @p0 .LBB2_1-.Ltmp3, $4  }
0x4d: {  	[hbm:s9], [sflag:s15] =	dma.local [spmem:s16], $0x2800  }
0x4e: {  	_ =	swait.ge [sflag:s11], $0x2800  }
0x4f: {  	[sflag:s11] =	ssyncset.done $0x0  }
0x50: {  	[sflag:s11] =	ssyncadd.s32 $0xFFFFD800  }
0x51: {  	_ =	sfence.sel $0x180000  }
0x52: {  	[bflag:$0x0] =	sbarrier.arrive $0xFFFF  }
0x53: {  	p0 =	sne.s32 s0, $0x0;
	_ =	strace $0x9000004D  }
0x54: {  	s0 =	sadd.s32 @!p0 $0x100000, s1;
	[bflag:$0x2] =	sbarrier.arrive $0xFFFF  }
0x55: {  	[sflag:s0] =	ssyncadd.tile.s32 @!p0 $0x1;
	_ =	shalt  }
.Lfunc_end2:
_tile_overlayer_lowered:
.L_overlay_start_2:
0x56: {  	(tag) =	ssettag $0x2  }
0x57: {  	s0 =	rddreg [dreg:$0x0];
	s2 =	stileid.u32  }
0x58: {  	s1 =	rddreg [dreg:$0x1];
	p0 =	sne.s32 s2, $0x0  }
0x59: {  	s3 =	rddreg [dreg:$0x2];
	[bflag:$0x3] =	sbarrier.arrive $0xFFFF;
	s2 =	simm.s32 @!p0 $0x1C01  }
0x5a: {  	[timem:s3], [sflag:s2] =	dma.local @!p0 [hbm:s0], s1  }
0x5b: {  	s0 =	simm.s32 @!p0 $0x1  }
0x5c: {  	_ =	swait.ge @!p0 [sflag:s0], s1  }
0x5d: {  	s1 =	ssub.s32 @!p0 $0x0, s1;
	[sflag:s0] =	ssyncset.done @!p0 $0x0  }
0x5e: {  	[sflag:s0] =	ssyncadd.s32 @!p0 s1  }
0x5f: {  	[bflag:$0x3] =	sbarrier.arrive $0xFFFF  }
0x60: {  	_ =	shalt  }

// kernel: kernel.8.cloned.1.call-start
scs
__scs_entry_jumppad:
0x0: {  	(pc) =	sbr.rel $0x88, $3  }
0x1: {  	(tag) =	ssettag $0x0;
	lr =	simm.s32 $0x1  }
0x2: {  	[smem:$0x3F9B] =	sst lr;
	_ =	strace $0xD0000000  }
0x3: {  	_ = 	snop  }
0x4: {  	_ = 	snop  }
0x5: {  	_ = 	snop  }
0x6: {  	_ = 	snop  }
0x7: {  	_ = 	snop  }
__scs_overlays_trampoline_lowered:
0x8: {  	[smem:$0x3FAA] =	sst s0  }
0x9: {  	[smem:$0x3FAB] =	sst s1  }
0xa: {  	[smem:$0x3FAC] =	sst s2  }
0xb: {  	[smem:$0x3FAD] =	sst s3  }
0xc: {  	[smem:$0x3FAE] =	sst s4  }
0xd: {  	[smem:$0x3FAF] =	sst s5  }
0xe: {  	[smem:$0x3FB0] =	sst s6  }
0xf: {  	[smem:$0x3FB1] =	sst s7  }
0x10: {  	[smem:$0x3FB2] =	sst s8  }
0x11: {  	[smem:$0x3FB3] =	sst s9;
	s0 =	simm.s32 @!p0 $0x0  }
0x12: {  	s1 =	sld [smem:$0x3F99];
	s0 =	simm.s32 @p0 $0x1  }
0x13: {  	[smem:$0x3FB4] =	sst s0;
	s0 =	simm.s32 @!p1 $0x0  }
0x14: {  	s2 =	sld [smem:$0x3F98];
	s0 =	simm.s32 @p1 $0x1  }
0x15: {  	[smem:$0x3FB5] =	sst s0;
	s0 =	simm.s32 @!p2 $0x0  }
0x16: {  	s3 =	sld [smem:$0x3FDB];
	s0 =	simm.s32 @p2 $0x1  }
0x17: {  	s4 =	simm.s32 $0x1BF5;
	[smem:$0x3FB7] =	sst s0  }
0x18: {  	s0 =	sld [smem:$0x3F9A];
	_ =	swait.ge [sflag:s4], $0x0  }
0x19: {  	s7 =	sld [smem:$0x3F9B]  }
0x1a: {  	s8 =	sadd.s32 $0xFFFFE003, lr  }
0x1b: {  	s9 =	sadd.s32 $0xFFFFFEF7, lr;
	s5 =	simm.s32 $0xFFFFFFFF;
	p2 =	slt.u32 s8, $0xFFFFF086  }
0x1c: {  	p1 =	slt.u32 s9, $0xF7A;
	s5 =	simm.s32 @!p2 $0x0  }
0x1d: {  	s5 =	simm.s32 @p1 $0x1;
	p0 =	seq.s32 s7, s2  }
0x1e: {  	s7 =	smul.u32 @!p0 $0xF7A, s2;
	p2 =	seq.s32 @!p0 s5, $0x0  }
0x1f: {  	s9 =	smul.u32 $0xF7A, s1;
	s8 =	simm.s32 @!p0 $0x1BF5;
	p2 =	por !p2, p0  }
0x20: {  	[sflag:s8] =	ssyncset.s32 @!p0 $0xFFFFF086;
	s6 =	sadd.s32 @!p0 s3, s7;
	s7 =	simm.s32 @!p0 $0x108  }
0x21: {  	s3 =	sadd.s32 s3, s9;
	s6 =	sadd.s32 @!p0 $0x88, s6;
	s7 =	simm.s32 @p2 $0x1082  }
0x22: {  	[simem:s7], [sflag:s8] =	dma.local @!p0 [hbm:s6], $0xF7A  }
0x23: {  	s9 =	sor.u32 $0xD0000000, s2;
	s6 =	simm.s32 $0x108;
	_ =	swait.ge @!p0 [sflag:s8], $0x0  }
0x24: {  	s3 =	sadd.s32 $0x88, s3;
	s6 =	simm.s32 @!p1 $0x1082;
	[sflag:s4] =	ssyncset.s32 $0xFFFFF086  }
0x25: {  	[simem:s6], [sflag:s4] =	dma.local [hbm:s3], $0xF7A  }
0x26: {  	[smem:$0x3F9B] =	sst s1;
	(tag) =	ssettag s2;
	_ =	strace s9  }
0x27: {  	s1 =	sld [smem:$0x3FAB]  }
0x28: {  	s2 =	sld [smem:$0x3FAC]  }
0x29: {  	s4 =	sld [smem:$0x3FAE]  }
0x2a: {  	p0 =	seq.s32 s5, $0x0;
	s5 =	sld [smem:$0x3FAF]  }
0x2b: {  	s6 =	sld [smem:$0x3FB0]  }
0x2c: {  	s7 =	sld [smem:$0x3FB1]  }
0x2d: {  	s3 =	simm.s32 $0x108;
	s8 =	sld [smem:$0x3FB2]  }
0x2e: {  	s3 =	simm.s32 @!p0 $0x1082;
	s9 =	sld [smem:$0x3FB3]  }
0x2f: {  	lr =	sadd.s32 s0, s3;
	s0 =	sld [smem:$0x3FAA]  }
0x30: {  	s3 =	sld [smem:$0x3FAD]  }
0x31: {  	[smem:$0x3FB6] =	sst s10  }
0x32: {  	s10 =	sld [smem:$0x3FB4];
	_ =	sdelay $0x3  }
0x33: {  	p0 =	seq.s32 s10, $0x1;
	s10 =	sld [smem:$0x3FB6];
	_ =	sdelay $0x3  }
0x34: {  	[smem:$0x3FB6] =	sst s10  }
0x35: {  	s10 =	sld [smem:$0x3FB5];
	_ =	sdelay $0x3  }
0x36: {  	p1 =	seq.s32 s10, $0x1;
	s10 =	sld [smem:$0x3FB6];
	_ =	sdelay $0x3  }
0x37: {  	[smem:$0x3FB6] =	sst s10  }
0x38: {  	s10 =	sld [smem:$0x3FB7]  }
0x39: {  	_ = 	snop;
	(pc) =	sbr.ind lr, $3  }
0x3a: {  	_ = 	snop  }
0x3b: {  	_ = 	snop  }
0x3c: {  	p2 =	seq.s32 s10, $0x1;
	s10 =	sld [smem:$0x3FB6]  }
0x3d: {  	_ =	shalt  }
0x3e: {  	_ =	shalt  }
0x3f: {  	_ =	shalt  }
0x40: {  	_ =	shalt  }
0x41: {  	_ =	shalt  }
0x42: {  	_ =	shalt  }
0x43: {  	_ =	shalt  }
0x44: {  	_ =	shalt  }
0x45: {  	_ =	shalt  }
0x46: {  	_ =	shalt  }
0x47: {  	_ =	shalt  }
0x48: {  	_ =	shalt  }
0x49: {  	_ =	shalt  }
0x4a: {  	_ =	shalt  }
0x4b: {  	_ =	shalt  }
0x4c: {  	_ =	shalt  }
0x4d: {  	_ =	shalt  }
0x4e: {  	_ =	shalt  }
0x4f: {  	_ =	shalt  }
0x50: {  	_ =	shalt  }
0x51: {  	_ =	shalt  }
0x52: {  	_ =	shalt  }
0x53: {  	_ =	shalt  }
0x54: {  	_ =	shalt  }
0x55: {  	_ =	shalt  }
0x56: {  	_ =	shalt  }
0x57: {  	_ =	shalt  }
0x58: {  	_ =	shalt  }
0x59: {  	_ =	shalt  }
0x5a: {  	_ =	shalt  }
0x5b: {  	_ =	shalt  }
0x5c: {  	_ =	shalt  }
0x5d: {  	_ =	shalt  }
0x5e: {  	_ =	shalt  }
0x5f: {  	_ =	shalt  }
0x60: {  	_ =	shalt  }
0x61: {  	_ =	shalt  }
0x62: {  	_ =	shalt  }
0x63: {  	_ =	shalt  }
0x64: {  	_ =	shalt  }
0x65: {  	_ =	shalt  }
0x66: {  	_ =	shalt  }
0x67: {  	_ =	shalt  }
0x68: {  	_ =	shalt  }
0x69: {  	_ =	shalt  }
0x6a: {  	_ =	shalt  }
0x6b: {  	_ =	shalt  }
0x6c: {  	_ =	shalt  }
0x6d: {  	_ =	shalt  }
0x6e: {  	_ =	shalt  }
0x6f: {  	_ =	shalt  }
0x70: {  	_ =	shalt  }
0x71: {  	_ =	shalt  }
0x72: {  	_ =	shalt  }
0x73: {  	_ =	shalt  }
0x74: {  	_ =	shalt  }
0x75: {  	_ =	shalt  }
0x76: {  	_ =	shalt  }
0x77: {  	_ =	shalt  }
0x78: {  	_ =	shalt  }
0x79: {  	_ =	shalt  }
0x7a: {  	_ =	shalt  }
0x7b: {  	_ =	shalt  }
0x7c: {  	_ =	shalt  }
0x7d: {  	_ =	shalt  }
0x7e: {  	_ =	shalt  }
0x7f: {  	_ =	shalt  }
0x80: {  	_ =	shalt  }
0x81: {  	_ =	shalt  }
0x82: {  	_ =	shalt  }
0x83: {  	_ =	shalt  }
0x84: {  	_ =	shalt  }
0x85: {  	_ =	shalt  }
0x86: {  	_ =	shalt  }
0x87: {  	_ =	shalt  }
.Lfunc_end0:
.L_simem_size_0:
called_computation_lowered:
.L_overlay_start_0:
0x88: {  	s2 =	sld [smem:$0x3FD9]  }
0x89: {  	s3 =	sld [smem:$0x3FFE];
	_ =	sdelay $0x1  }
0x8a: {  	s1 =	srdreg.scid  }
0x8b: {  	s0 =	sand.u32 $0x1, s1  }
0x8c: {  	s17 =	sshll.u32 s0, $0xA;
	s2 =	sadd.s32 s3, s2  }
0x8d: {  	s2 =	sadd.s32 s2, s17  }
0x8e: {  	[smem:$0x3FC2] =	sst s2  }
0x8f: {  	_ = 	snop  }
0x90: {  	s2 =	sld [smem:$0x3FD0];
	(tm) =	ssettm $0x1  }
0x91: {  	s18 =	sld [smem:$0x3FFB];
	_ =	sdelay $0x3  }
0x92: {  	_ =	strace s18  }
0x93: {  	s3 =	sld [smem:$0x3FFC];
	_ =	sdelay $0x3  }
0x94: {  	_ =	strace s3  }
0x95: {  	s3 =	sld [smem:$0x3FFD];
	_ =	sdelay $0x3  }
0x96: {  	_ =	strace s3  }
0x97: {  	_ =	strace $0x8FFFFFFF  }
0x98: {  	s19 =	sld [smem:$0x3FDB];
	_ =	sdelay $0x1  }
0x99: {  	s4 =	simm.s32 $_scs_section_size  }
0x9a: {  	s5 =	simm.s32 $_size__tile_overlayer_lowered;
	s6 =	simm.s32 $_tile_overlayer_lowered  }
0x9b: {  	s22 =	simm.s32 $0x1BFF;
	s21 =	sshll.u32 s6, $0x1;
	s3 =	sadd.s32 s4, s19  }
0x9c: {  	s7 =	simm.s32 $0x0;
	s20 =	sshll.u32 s5, $0x1;
	s5 =	sadd.s32 s21, s3  }
0x9d: {  	[timem:s7], [sflag:s22] =	dma.local [hbm:s5], s20  }
0x9e: {  	_ =	swait.ge [sflag:s22], s20  }
0x9f: {  	s4 =	ssub.s32 $0x0, s20;
	[sflag:s22] =	ssyncset.done $0x0  }
0xa0: {  	[sflag:s22] =	ssyncadd.s32 s4;
	_ =	sdelay $0x1  }
0xa1: {  	s23 =	simm.s32 $0x1B8B  }
0xa2: {  	_ =	swait.ge [sflag:s23], $0x1  }
0xa3: {  	[sflag:s23] =	ssyncset.done $0x0  }
0xa4: {  	s25 =	simm.s32 $0x1B8E;
	s24 =	sld [smem:$0x3FFE];
	[sflag:s23] =	ssyncadd.s32 $0xFFFFFFFF  }
0xa5: {  	s26 =	simm.s32 $execute0_lowered;
	[smem:$0x3FD2] =	sst s25  }
0xa6: {  	s5 =	sshll.u32 s26, $0x1;
	_ =	strace $0x80000046;
	[dreg:$0x1] =	wrdreg $0xFFFFFFFF  }
0xa7: {  	s28 =	simm.s32 $_size_execute0_lowered;
	s3 =	sadd.s32 s3, s5;
	[dreg:$0x0] =	wrdreg $0x0  }
0xa8: {  	s5 =	sshll.u32 s28, $0x1;
	[dreg:$0x2] =	wrdreg s3  }
0xa9: {  	[dreg:$0x3] =	wrdreg s5  }
0xaa: {  	[dreg:$0x4] =	wrdreg $0xC0  }
0xab: {  	_ =	task [dreg:s7], $0x5FFFF  }
0xac: {  	[dreg:$0x1] =	wrdreg $0xFFFFFFFF  }
0xad: {  	[dreg:$0x0] =	wrdreg $0x60  }
0xae: {  	[dreg:$0x2] =	wrdreg s2  }
0xaf: {  	[dreg:$0x3] =	wrdreg s24  }
0xb0: {  	[dreg:$0x4] =	wrdreg $0x17000  }
0xb1: {  	[dreg:$0x5] =	wrdreg $0x9  }
0xb2: {  	_ =	task.clear_ibuf [dreg:s7], $0x6FFFF;
	_ =	strace $0x90000046  }
0xb3: {  	s29 =	simm.s32 $0x9;
	_ =	strace $0x80000048  }
0xb4: {  	_ =	swait.ge [sflag:s29], $0x1  }
0xb5: {  	[sflag:s29] =	ssyncadd.s32 $0xFFFFFFFF  }
0xb6: {  	_ =	strace $0x90000048  }
0xb7: {  	_ =	sfence  }
0xb8: {  	s30 =	sld [smem:$0x0];
	_ =	sdelay $0x2  }
0xb9: {  	s31 =	sshll.u32 s1, $0xD;
	s1 =	sshrl.u32 s1, $0x2  }
0xba: {  	s3 =	sand.u32 $0x4000, s31;
	s1 =	sadd.s32 s1, s30  }
0xbb: {  	s0 =	sor.u32 s3, s0;
	s1 =	sshll.u32 s1, $0x11  }
0xbc: {  	s0 =	sor.u32 s1, s0  }
0xbd: {  	s0 =	sadd.s32 $0x8F2B, s0  }
0xbe: {  	[sflag:s0] =	ssyncadd.remote.s32 $0x1  }
0xbf: {  	_ =	sfence.sel $0xFFFF  }
0xc0: {  	[dreg:$0x0] =	wrdreg $0xFFFFFFFF;
	(pc) =	sbr.abs _section_cstart, $3  }
0xc1: {  	[dreg:$0x1] =	wrdreg $0xFFFFFFFF  }
0xc2: {  	_ =	task.clear_ibuf [dreg:s7], $0x2FFFF;
	_ =	strace $0x9FFFFFFF  }
0xc3: {  	(tm) =	ssettm $0x7FFFFFFF  }
tec
execute0_lowered:
.L_overlay_start_1:
0x0: {  	(tag) =	ssettag $0x1  }
0x1: {  	s5 =	rddreg [dreg:$0x0]  }
0x2: {  	s4 =	rddreg [dreg:$0x1]  }
0x3: {  	s1 =	rddreg [dreg:$0x2];
	s6 =	srdreg.scid  }
0x4: {  	s0 =	rddreg [dreg:$0x3];
	s3 =	simm.s32 $0x0;
	s2 =	stileid.u32  }
0x5: {  	s14 =	simm.s32 $0x20;
	s15 =	simm.s32 $0x10;
	s16 =	simm.s32 $0x0  }
0x6: {  	s7 =	sand.u32 $0x1, s6;
	[smem:$0x7FF] =	sst s3;
	s9 =	smul.u32 $0xA00, s2  }
0x7: {  	s6 =	sshll.u32 s6, $0x4;
	s11 =	smul.u32 $0xA0, s2;
	s12 =	sshll.u32 s2, $0x6  }
0x8: {  	s8 =	sshll.u32 s7, $0x4;
	_ =	strace $0x80000047;
	s7 =	ssub.s32 $0x2, s7  }
0x9: {  	s6 =	sand.u32 $0x10, s6;
	s12 =	sor.u32 $0x1C01, s12;
	s8 =	sor.u32 s2, s8  }
0xa: {  	s10 =	sshrl.u32 s7, $0x1;
	s6 =	sadd.s32 s6, s4;
	s30 =	sshrl.u32 s9, $0x2  }
0xb: {  	s9 =	simm.s32 $0x1;
	s8 =	smul.u32 $0x280, s8;
	s7 =	ssub.s32 s7, s10  }
0xc: {  	s4 =	sadd.s32 s30, s1;
	s31 =	sadd.s32 s11, s6;
	s10 =	simm.s32 $0x80  }
0xd: {  	s11 =	simm.s32 $0x1400;
	s6 =	smax.u32 s7, $0x1;
	s7 =	sadd.s32 $0x6E00, s31  }
0xe: {  	v0 =	vimm.f32 $1.000000000e+00;
	v1 =	vimm.f32 $0.0e+00;
	s13 =	sshrl.u32 s4, $0x3;
	s5 =	sadd.s32 s5, s8;
	s8 =	simm.s32 $0x1480  }
.LBB2_1:
0xf: {  	[tilespmem:$0x1400] =	vst v0  }
0x10: {  	[tilespmem:$0x1410] =	vst v0  }
0x11: {  	[tilespmem:$0x1420] =	vst v0  }
0x12: {  	[tilespmem:$0x1430] =	vst v0  }
0x13: {  	[tilespmem:$0x1440] =	vst v0  }
0x14: {  	[tilespmem:$0x1450] =	vst v0  }
0x15: {  	[tilespmem:$0x1460] =	vst v0  }
0x16: {  	[tilespmem:$0x1470] =	vst v0  }
0x17: {  	[tilespmem:$0x1480] =	vst v1  }
0x18: {  	[tilespmem:$0x1490] =	vst v1  }
0x19: {  	[tilespmem:$0x14A0] =	vst v1  }
0x1a: {  	[tilespmem:$0x14B0] =	vst v1  }
0x1b: {  	[tilespmem:$0x14C0] =	vst v1  }
0x1c: {  	[tilespmem:$0x14D0] =	vst v1  }
0x1d: {  	[tilespmem:$0x14E0] =	vst v1  }
0x1e: {  	[tilespmem:$0x14F0] =	vst v1  }
0x1f: {  	[tilespmem:$0x1500] =	vst v1  }
0x20: {  	[tilespmem:$0x1510] =	vst v1  }
0x21: {  	[tilespmem:$0x1520] =	vst v1  }
0x22: {  	[tilespmem:$0x1530] =	vst v1  }
0x23: {  	[tilespmem:$0x1540] =	vst v1  }
0x24: {  	[tilespmem:$0x1550] =	vst v1  }
0x25: {  	[tilespmem:$0x1560] =	vst v1  }
0x26: {  	[tilespmem:$0x1570] =	vst v1  }
0x27: {  	[tilespmem:$0x1580] =	vst v1  }
0x28: {  	[tilespmem:$0x1590] =	vst v1  }
0x29: {  	[tilespmem:$0x15A0] =	vst v1  }
0x2a: {  	[tilespmem:$0x15B0] =	vst v1  }
0x2b: {  	[tilespmem:$0x15C0] =	vst v1  }
0x2c: {  	[tilespmem:$0x15D0] =	vst v1  }
0x2d: {  	[tilespmem:$0x15E0] =	vst v1  }
0x2e: {  	[tilespmem:$0x15F0] =	vst v1  }
0x2f: {  	[tilespmem:$0x1600] =	vst v1  }
0x30: {  	[tilespmem:$0x1610] =	vst v1  }
0x31: {  	[tilespmem:$0x1620] =	vst v1  }
0x32: {  	[tilespmem:$0x1630] =	vst v1  }
0x33: {  	[tilespmem:$0x1640] =	vst v1  }
0x34: {  	[tilespmem:$0x1650] =	vst v1  }
0x35: {  	[tilespmem:$0x1660] =	vst v1  }
0x36: {  	[tilespmem:$0x1670] =	vst v1  }
0x37: {  	[tilespmem:$0x1680] =	vst v1  }
0x38: {  	[tilespmem:$0x1690] =	vst v1  }
0x39: {  	[tilespmem:$0x16A0] =	vst v1  }
0x3a: {  	[tilespmem:$0x16B0] =	vst v1  }
0x3b: {  	[tilespmem:$0x16C0] =	vst v1  }
0x3c: {  	[tilespmem:$0x16D0] =	vst v1  }
0x3d: {  	[tilespmem:$0x16E0] =	vst v1  }
0x3e: {  	[tilespmem:$0x16F0] =	vst v1  }
0x3f: {  	[spmem:s4] =	stream.linear.scatter [tilespmem:s8], [sflag:$0x1], $0x280, $0x38;
	[tilespmem:$0x1980] =	vst v63  }
0x40: {  	_ =	swait.ge [sflag:s9], $0x280  }
0x41: {  	[sflag:s9] =	ssyncset.done $0x0  }
0x42: {  	[sflag:s9] =	ssyncadd.s32 $0xFFFFFD80  }
0x43: {  	[tilespmem:s3], [sflag:$0x1] =	stream.linear.gather [hbm4b:s5+s3], $0x1400, $0x38;
	[tilespmem:$0x1980] =	vst v63  }
0x44: {  	_ =	swait.ge [sflag:s9], $0x1400  }
0x45: {  	[sflag:s9] =	ssyncset.done $0x0  }
0x46: {  	[sflag:s9] =	ssyncadd.s32 $0xFFFFEC00  }
0x47: {  	s17 =	simm.s32 $0x0;
	[bflag:$0x0] =	sbarrier.arrive $0xFFFF  }
0x48: {  	[spmem:s1] =	stream.indirect.scatter.add.f32 [tilespmem:s11], [sflag:$0x1], $0x1, s17, s10, $0xb8;
	[tilespmem:$0x1980] =	vst v63  }
0x49: {  	_ =	swait.ge [sflag:s9], $0x80  }
0x4a: {  	s17 =	simm.s32 $0x200;
	[sflag:s9] =	ssyncset.done $0x0  }
.LBB2_2:
0x4b: {  	s18 =	sshra.s32 s17, $0x2;
	[sflag:s9] =	ssyncadd.s32 $0xFFFFFF80;
	p0 =	sne.s32 s17, $0x4E00  }
0x4c: {  	[spmem:s1] =	stream.indirect.scatter.add.f32 [tilespmem:s11], [sflag:$0x1], $0x1, s18, s10, $0xb8;
	[tilespmem:$0x1980] =	vst v63  }
.Ltmp0:
0x4d: {  	_ = 	snop;
	(pc) =	sbr.rel @p0 .LBB2_2-.Ltmp0, $4  }
0x4e: {  	_ = 	snop  }
0x4f: {  	s17 =	sadd.s32 $0x200, s17  }
0x50: {  	_ =	swait.ge [sflag:s9], $0x80  }
0x51: {  	[sflag:s9] =	ssyncset.done $0x0  }
0x52: {  	s16 =	sadd.s32 $0x1, s16  }
0x53: {  	[sflag:s9] =	ssyncadd.s32 $0xFFFFFF80;
	p0 =	sne.s32 s16, s6  }
.Ltmp1:
0x54: {  	[bflag:$0x0] =	sbarrier.arrive $0xFFFF;
	(pc) =	sbr.rel @p0 .LBB2_1-.Ltmp1, $4  }
0x55: {  	[hbm:s7@s14], [sflag:s12] =	dma.strided [spmem:s13@s15], $0x50, s9, $0x10   }
0x56: {  	_ =	swait.ge [sflag:s9], $0x50  }
0x57: {  	[sflag:s9] =	ssyncset.done $0x0  }
0x58: {  	[sflag:s9] =	ssyncadd.s32 $0xFFFFFFB0  }
0x59: {  	_ =	sfence.sel $0x180000  }
0x5a: {  	[bflag:$0x0] =	sbarrier.arrive $0xFFFF  }
0x5b: {  	p0 =	sne.s32 s2, $0x0;
	_ =	strace $0x90000047  }
0x5c: {  	s0 =	sadd.s32 @!p0 $0x100000, s0;
	[bflag:$0x2] =	sbarrier.arrive $0xFFFF  }
0x5d: {  	[sflag:s0] =	ssyncadd.tile.s32 @!p0 $0x1;
	_ =	shalt  }
.Lfunc_end2:
_tile_overlayer_lowered:
.L_overlay_start_2:
0x5e: {  	(tag) =	ssettag $0x2  }
0x5f: {  	s0 =	rddreg [dreg:$0x0];
	s2 =	stileid.u32  }
0x60: {  	s1 =	rddreg [dreg:$0x1];
	p0 =	sne.s32 s2, $0x0  }
0x61: {  	s3 =	rddreg [dreg:$0x2];
	[bflag:$0x3] =	sbarrier.arrive $0xFFFF;
	s2 =	simm.s32 @!p0 $0x1C01  }
0x62: {  	[timem:s3], [sflag:s2] =	dma.local @!p0 [hbm:s0], s1  }
0x63: {  	s0 =	simm.s32 @!p0 $0x1  }
0x64: {  	_ =	swait.ge @!p0 [sflag:s0], s1  }
0x65: {  	s1 =	ssub.s32 @!p0 $0x0, s1;
	[sflag:s0] =	ssyncset.done @!p0 $0x0  }
0x66: {  	[sflag:s0] =	ssyncadd.s32 @!p0 s1  }
0x67: {  	[bflag:$0x3] =	sbarrier.arrive $0xFFFF  }
0x68: {  	_ =	shalt  }

</sc_bundles>
